<compile_context>
chip_gen: v7x
topology: tpu7x:2x2x1
jax: 0.10.2.dev20260603
libtpu: 0.0.44.dev20260713+nightly
codegen_flags: <defaults>
</compile_context>

<pallas_src>
import functools

import jax
import jax.numpy as jnp
from jax import lax
from jax.experimental import pallas as pl
from jax.experimental.pallas import tpu as pltpu
from jax.experimental.pallas import tpu_sc as plsc

L = 16
NS = 16
NUM_EXPERTS = 64


def _make_hist_kernel(n_rows: int, n_cols: int, num_experts: int):
  E = num_experts
  W = n_cols
  rows = n_rows // NS
  assert rows * NS == n_rows and W % L == 0 and E % L == 0

  mesh = plsc.VectorSubcoreMesh(
      core_axis_name="c", subcore_axis_name="s", num_cores=1, num_subcores=NS)

  @functools.partial(
      pl.kernel,
      out_type=jax.ShapeDtypeStruct((E,), jnp.int32),
      mesh=mesh,
      compiler_params=pltpu.CompilerParams(
          needs_layout_passes=False, use_tc_tiling_on_sc=False,
          skip_device_barrier=True),
      scratch_types=[
          pltpu.VMEM((rows, W), jnp.int32),
          pltpu.VMEM((E * L,), jnp.int32),
          pltpu.VMEM((E,), jnp.int32),
          pltpu.VMEM((NS * E,), jnp.int32),
          pltpu.VMEM_SHARED((NS * E,), jnp.int32),
      ],
  )
  def hist_kernel(ids_hbm, out_hbm, ids_v, hist_v, cnt_v, gbuf_v, shared):
    sid = lax.axis_index("s")
    pltpu.sync_copy(ids_hbm.at[pl.ds(sid * rows, rows)], ids_v)

    lanes = lax.iota(jnp.int32, L)
    zeros = jnp.zeros((L,), jnp.int32)
    ones = jnp.ones((L,), jnp.int32)
    for r in range(E):
      hist_v[pl.ds(r * L, L)] = zeros

    def body(r, carry):
      for c in range(W // L):
        v = ids_v[r, pl.ds(c * L, L)]
        plsc.addupdate_scatter(hist_v, [v * L + lanes], ones)
      return carry

    lax.fori_loop(0, rows, body, 0)

    for k in range(E // L):
      acc = zeros
      for j in range(L):
        s = jnp.sum(hist_v[pl.ds((k * L + j) * L, L)])
        acc = jnp.where(lanes == j, s, acc)
      cnt_v[pl.ds(k * L, L)] = acc

    pltpu.sync_copy(cnt_v, shared.at[pl.ds(sid * E, E)])
    plsc.subcore_barrier()

    @pl.when(sid == 0)
    def _():
      pltpu.sync_copy(shared, gbuf_v)
      for k in range(E // L):
        acc = zeros
        for s_ in range(NS):
          acc = acc + gbuf_v[pl.ds(s_ * E + k * L, L)]
        cnt_v[pl.ds(k * L, L)] = acc
      pltpu.sync_copy(cnt_v, out_hbm)

  return hist_kernel


def kernel(topk_ids, num_local_experts):
  del num_local_experts
  n, k = topk_ids.shape
  ids_t = topk_ids.reshape(n // 128, 128, k).transpose(0, 2, 1)
  ids_t = ids_t.reshape(n // 128 * k, 128)
  hist = _make_hist_kernel(ids_t.shape[0], ids_t.shape[1], NUM_EXPERTS)
  return hist(ids_t)

# --- scband reference (transcript-rebuilt; emitter-appended) ---
"""Pipeline reference for scband-model-vllm-70471823392992 (READ-ONLY COPY).

The authoritative reference and input builder live on the scoring server;
editing this copy changes nothing except your own understanding.
"""

import jax, jax.numpy as jnp
import numpy as np

NUM_TOKENS = 32768
TOP_K = 8
NUM_LOCAL_EXPERTS = 64

def setup_inputs(seed: int = 0) -> dict:
    key = jax.random.key(seed)
    k1, = jax.random.split(key, 1)
    topk_ids = jax.random.randint(k1, (NUM_TOKENS, TOP_K), 0, NUM_LOCAL_EXPERTS, dtype=jnp.int64 if jax.config.jax_enable_x64 else jnp.int32)
    return {"topk_ids": topk_ids, "num_local_experts": NUM_LOCAL_EXPERTS}

def reference(topk_ids, num_local_experts):
    # Faithful port of vllm count_expert_num_tokens with expert_map=None:
    # counts, per local expert, how many (token, slot) assignments in topk_ids
    # target that expert. Ids outside [0, num_local_experts) are ignored.
    flat = topk_ids.reshape(-1)
    valid = (flat >= 0) & (flat < num_local_experts)
    # clamp invalid ids to 0 and use weights to mask them out of the count
    safe = jnp.where(valid, flat, 0)
    counts = jnp.bincount(safe, weights=valid.astype(jnp.int32), length=NUM_LOCAL_EXPERTS)
    return counts.astype(jnp.int32)

if __name__ == "__main__":
    import jax
    _d = setup_inputs()
    print(jax.jit(kernel)(*tuple(_d.values())))

</pallas_src>

<mosaic_0001>
#map = affine_map<(d0, d1) -> (0, 0)>
#map1 = affine_map<(d0, d1) -> (0)>
module attributes {stable_mosaic.version = 14 : i64} {
  func.func @hist_kernel(%arg0: i32, %arg1: i32, %arg2: memref<2048x128xi32, #tpu.memory_space<hbm>>, %arg3: memref<64xi32, #tpu.memory_space<hbm>>, %arg4: memref<128x128xi32, #tpu.memory_space<vmem>>, %arg5: memref<1024xi32, #tpu.memory_space<vmem>>, %arg6: memref<64xi32, #tpu.memory_space<vmem>>, %arg7: memref<1024xi32, #tpu.memory_space<vmem>>, %arg8: memref<1024xi32, #tpu.memory_space<vmem_shared>>) attributes {dimension_semantics = [#tpu.dimension_semantics<core_parallel>, #tpu.dimension_semantics<subcore_parallel>], iteration_bounds = array<i64: 1, 16>, scalar_prefetch = 0 : i64, scratch_operands = 5 : i64, tpu.core_type = #tpu.core_type<sc_vector_subcore>, window_params = [{transform_indices = #map}, {transform_indices = #map1}]} {
    %mul3A = arith.constant 128 : i32
    %mul3A_0 = arith.muli %arg1, %mul3A : i32
    "tpu.region"() ({
      %run_scoped3A = tpu.sem_alloc : memref<!tpu.dma_semaphore, #tpu.memory_space<semaphore_mem>>
      %dma_start3A = arith.constant 0 : i32
      %dma_start3A_849 = tpu.memref_slice %arg2[%mul3A_0, %dma_start3A] : memref<2048x128xi32, #tpu.memory_space<hbm>> -> memref<128x128xi32, #tpu.memory_space<hbm>>
      %dma_start3A_850 = arith.constant 0 : i32
      %dma_start3A_851 = tpu.memref_slice %arg2[%mul3A_0, %dma_start3A_850] : memref<2048x128xi32, #tpu.memory_space<hbm>> -> memref<128x128xi32, #tpu.memory_space<hbm>>
      tpu.enqueue_dma source(%dma_start3A_851 : memref<128x128xi32, #tpu.memory_space<hbm>>) target(%arg4 : memref<128x128xi32, #tpu.memory_space<vmem>>) target_semaphore(%run_scoped3A : memref<!tpu.dma_semaphore, #tpu.memory_space<semaphore_mem>>)
      %dma_wait3A = arith.constant 0 : i32
      %dma_wait3A_852 = tpu.memref_slice %arg2[%mul3A_0, %dma_wait3A] : memref<2048x128xi32, #tpu.memory_space<hbm>> -> memref<128x128xi32, #tpu.memory_space<hbm>>
      %dma_wait3A_853 = arith.constant 0 : i32
      %dma_wait3A_854 = tpu.memref_slice %arg2[%mul3A_0, %dma_wait3A_853] : memref<2048x128xi32, #tpu.memory_space<hbm>> -> memref<128x128xi32, #tpu.memory_space<hbm>>
      tpu.wait_dma2 semaphore(%run_scoped3A : memref<!tpu.dma_semaphore, #tpu.memory_space<semaphore_mem>>) src(%dma_wait3A_854 : memref<128x128xi32, #tpu.memory_space<hbm>>) dst(%arg4 : memref<128x128xi32, #tpu.memory_space<vmem>>)
      tpu.yield
    }) : () -> ()
    %iota3A = tpu.iota {dimensions = array<i32: 0>} : vector<16xi32>
    %broadcast_in_dim3A = arith.constant 0 : i32
    %broadcast_in_dim3A_1 = vector.broadcast %broadcast_in_dim3A : i32 to vector<16xi32>
    %broadcast_in_dim3A_2 = arith.constant 1 : i32
    %broadcast_in_dim3A_3 = vector.broadcast %broadcast_in_dim3A_2 : i32 to vector<16xi32>
    %swap3A = arith.constant 0 : index
    %swap3A_4 = tpu.vector_load %arg5[%swap3A] {strides = array<i32>} : memref<1024xi32, #tpu.memory_space<vmem>>, vector<16xi32>,
    tpu.vector_store %arg5[%swap3A], %broadcast_in_dim3A_1 {strides = array<i32>} : memref<1024xi32, #tpu.memory_space<vmem>>, vector<16xi32>,
    %swap3A_5 = arith.constant 16 : index
    %swap3A_6 = tpu.vector_load %arg5[%swap3A_5] {strides = array<i32>} : memref<1024xi32, #tpu.memory_space<vmem>>, vector<16xi32>,
    tpu.vector_store %arg5[%swap3A_5], %broadcast_in_dim3A_1 {strides = array<i32>} : memref<1024xi32, #tpu.memory_space<vmem>>, vector<16xi32>,
    %swap3A_7 = arith.constant 32 : index
    %swap3A_8 = tpu.vector_load %arg5[%swap3A_7] {strides = array<i32>} : memref<1024xi32, #tpu.memory_space<vmem>>, vector<16xi32>,
    tpu.vector_store %arg5[%swap3A_7], %broadcast_in_dim3A_1 {strides = array<i32>} : memref<1024xi32, #tpu.memory_space<vmem>>, vector<16xi32>,
    %swap3A_9 = arith.constant 48 : index
    %swap3A_10 = tpu.vector_load %arg5[%swap3A_9] {strides = array<i32>} : memref<1024xi32, #tpu.memory_space<vmem>>, vector<16xi32>,
    tpu.vector_store %arg5[%swap3A_9], %broadcast_in_dim3A_1 {strides = array<i32>} : memref<1024xi32, #tpu.memory_space<vmem>>, vector<16xi32>,
    %swap3A_11 = arith.constant 64 : index
    %swap3A_12 = tpu.vector_load %arg5[%swap3A_11] {strides = array<i32>} : memref<1024xi32, #tpu.memory_space<vmem>>, vector<16xi32>,
    tpu.vector_store %arg5[%swap3A_11], %broadcast_in_dim3A_1 {strides = array<i32>} : memref<1024xi32, #tpu.memory_space<vmem>>, vector<16xi32>,
    %swap3A_13 = arith.constant 80 : index
    %swap3A_14 = tpu.vector_load %arg5[%swap3A_13] {strides = array<i32>} : memref<1024xi32, #tpu.memory_space<vmem>>, vector<16xi32>,
    tpu.vector_store %arg5[%swap3A_13], %broadcast_in_dim3A_1 {strides = array<i32>} : memref<1024xi32, #tpu.memory_space<vmem>>, vector<16xi32>,
    %swap3A_15 = arith.constant 96 : index
    %swap3A_16 = tpu.vector_load %arg5[%swap3A_15] {strides = array<i32>} : memref<1024xi32, #tpu.memory_space<vmem>>, vector<16xi32>,
    tpu.vector_store %arg5[%swap3A_15], %broadcast_in_dim3A_1 {strides = array<i32>} : memref<1024xi32, #tpu.memory_space<vmem>>, vector<16xi32>,
    %swap3A_17 = arith.constant 112 : index
    %swap3A_18 = tpu.vector_load %arg5[%swap3A_17] {strides = array<i32>} : memref<1024xi32, #tpu.memory_space<vmem>>, vector<16xi32>,
    tpu.vector_store %arg5[%swap3A_17], %broadcast_in_dim3A_1 {strides = array<i32>} : memref<1024xi32, #tpu.memory_space<vmem>>, vector<16xi32>,
    %swap3A_19 = arith.constant 128 : index
    %swap3A_20 = tpu.vector_load %arg5[%swap3A_19] {strides = array<i32>} : memref<1024xi32, #tpu.memory_space<vmem>>, vector<16xi32>,
    tpu.vector_store %arg5[%swap3A_19], %broadcast_in_dim3A_1 {strides = array<i32>} : memref<1024xi32, #tpu.memory_space<vmem>>, vector<16xi32>,
    %swap3A_21 = arith.constant 144 : index
    %swap3A_22 = tpu.vector_load %arg5[%swap3A_21] {strides = array<i32>} : memref<1024xi32, #tpu.memory_space<vmem>>, vector<16xi32>,
    tpu.vector_store %arg5[%swap3A_21], %broadcast_in_dim3A_1 {strides = array<i32>} : memref<1024xi32, #tpu.memory_space<vmem>>, vector<16xi32>,
    %swap3A_23 = arith.constant 160 : index
    %swap3A_24 = tpu.vector_load %arg5[%swap3A_23] {strides = array<i32>} : memref<1024xi32, #tpu.memory_space<vmem>>, vector<16xi32>,
    tpu.vector_store %arg5[%swap3A_23], %broadcast_in_dim3A_1 {strides = array<i32>} : memref<1024xi32, #tpu.memory_space<vmem>>, vector<16xi32>,
    %swap3A_25 = arith.constant 176 : index
    %swap3A_26 = tpu.vector_load %arg5[%swap3A_25] {strides = array<i32>} : memref<1024xi32, #tpu.memory_space<vmem>>, vector<16xi32>,
    tpu.vector_store %arg5[%swap3A_25], %broadcast_in_dim3A_1 {strides = array<i32>} : memref<1024xi32, #tpu.memory_space<vmem>>, vector<16xi32>,
    %swap3A_27 = arith.constant 192 : index
    %swap3A_28 = tpu.vector_load %arg5[%swap3A_27] {strides = array<i32>} : memref<1024xi32, #tpu.memory_space<vmem>>, vector<16xi32>,
    tpu.vector_store %arg5[%swap3A_27], %broadcast_in_dim3A_1 {strides = array<i32>} : memref<1024xi32, #tpu.memory_space<vmem>>, vector<16xi32>,
    %swap3A_29 = arith.constant 208 : index
    %swap3A_30 = tpu.vector_load %arg5[%swap3A_29] {strides = array<i32>} : memref<1024xi32, #tpu.memory_space<vmem>>, vector<16xi32>,
    tpu.vector_store %arg5[%swap3A_29], %broadcast_in_dim3A_1 {strides = array<i32>} : memref<1024xi32, #tpu.memory_space<vmem>>, vector<16xi32>,
    %swap3A_31 = arith.constant 224 : index
    %swap3A_32 = tpu.vector_load %arg5[%swap3A_31] {strides = array<i32>} : memref<1024xi32, #tpu.memory_space<vmem>>, vector<16xi32>,
    tpu.vector_store %arg5[%swap3A_31], %broadcast_in_dim3A_1 {strides = array<i32>} : memref<1024xi32, #tpu.memory_space<vmem>>, vector<16xi32>,
    %swap3A_33 = arith.constant 240 : index
    %swap3A_34 = tpu.vector_load %arg5[%swap3A_33] {strides = array<i32>} : memref<1024xi32, #tpu.memory_space<vmem>>, vector<16xi32>,
    tpu.vector_store %arg5[%swap3A_33], %broadcast_in_dim3A_1 {strides = array<i32>} : memref<1024xi32, #tpu.memory_space<vmem>>, vector<16xi32>,
    %swap3A_35 = arith.constant 256 : index
    %swap3A_36 = tpu.vector_load %arg5[%swap3A_35] {strides = array<i32>} : memref<1024xi32, #tpu.memory_space<vmem>>, vector<16xi32>,
    tpu.vector_store %arg5[%swap3A_35], %broadcast_in_dim3A_1 {strides = array<i32>} : memref<1024xi32, #tpu.memory_space<vmem>>, vector<16xi32>,
    %swap3A_37 = arith.constant 272 : index
    %swap3A_38 = tpu.vector_load %arg5[%swap3A_37] {strides = array<i32>} : memref<1024xi32, #tpu.memory_space<vmem>>, vector<16xi32>,
    tpu.vector_store %arg5[%swap3A_37], %broadcast_in_dim3A_1 {strides = array<i32>} : memref<1024xi32, #tpu.memory_space<vmem>>, vector<16xi32>,
    %swap3A_39 = arith.constant 288 : index
    %swap3A_40 = tpu.vector_load %arg5[%swap3A_39] {strides = array<i32>} : memref<1024xi32, #tpu.memory_space<vmem>>, vector<16xi32>,
    tpu.vector_store %arg5[%swap3A_39], %broadcast_in_dim3A_1 {strides = array<i32>} : memref<1024xi32, #tpu.memory_space<vmem>>, vector<16xi32>,
    %swap3A_41 = arith.constant 304 : index
    %swap3A_42 = tpu.vector_load %arg5[%swap3A_41] {strides = array<i32>} : memref<1024xi32, #tpu.memory_space<vmem>>, vector<16xi32>,
    tpu.vector_store %arg5[%swap3A_41], %broadcast_in_dim3A_1 {strides = array<i32>} : memref<1024xi32, #tpu.memory_space<vmem>>, vector<16xi32>,
    %swap3A_43 = arith.constant 320 : index
    %swap3A_44 = tpu.vector_load %arg5[%swap3A_43] {strides = array<i32>} : memref<1024xi32, #tpu.memory_space<vmem>>, vector<16xi32>,
    tpu.vector_store %arg5[%swap3A_43], %broadcast_in_dim3A_1 {strides = array<i32>} : memref<1024xi32, #tpu.memory_space<vmem>>, vector<16xi32>,
    %swap3A_45 = arith.constant 336 : index
    %swap3A_46 = tpu.vector_load %arg5[%swap3A_45] {strides = array<i32>} : memref<1024xi32, #tpu.memory_space<vmem>>, vector<16xi32>,
    tpu.vector_store %arg5[%swap3A_45], %broadcast_in_dim3A_1 {strides = array<i32>} : memref<1024xi32, #tpu.memory_space<vmem>>, vector<16xi32>,
    %swap3A_47 = arith.constant 352 : index
    %swap3A_48 = tpu.vector_load %arg5[%swap3A_47] {strides = array<i32>} : memref<1024xi32, #tpu.memory_space<vmem>>, vector<16xi32>,
    tpu.vector_store %arg5[%swap3A_47], %broadcast_in_dim3A_1 {strides = array<i32>} : memref<1024xi32, #tpu.memory_space<vmem>>, vector<16xi32>,
    %swap3A_49 = arith.constant 368 : index
    %swap3A_50 = tpu.vector_load %arg5[%swap3A_49] {strides = array<i32>} : memref<1024xi32, #tpu.memory_space<vmem>>, vector<16xi32>,
    tpu.vector_store %arg5[%swap3A_49], %broadcast_in_dim3A_1 {strides = array<i32>} : memref<1024xi32, #tpu.memory_space<vmem>>, vector<16xi32>,
    %swap3A_51 = arith.constant 384 : index
    %swap3A_52 = tpu.vector_load %arg5[%swap3A_51] {strides = array<i32>} : memref<1024xi32, #tpu.memory_space<vmem>>, vector<16xi32>,
    tpu.vector_store %arg5[%swap3A_51], %broadcast_in_dim3A_1 {strides = array<i32>} : memref<1024xi32, #tpu.memory_space<vmem>>, vector<16xi32>,
    %swap3A_53 = arith.constant 400 : index
    %swap3A_54 = tpu.vector_load %arg5[%swap3A_53] {strides = array<i32>} : memref<1024xi32, #tpu.memory_space<vmem>>, vector<16xi32>,
    tpu.vector_store %arg5[%swap3A_53], %broadcast_in_dim3A_1 {strides = array<i32>} : memref<1024xi32, #tpu.memory_space<vmem>>, vector<16xi32>,
    %swap3A_55 = arith.constant 416 : index
    %swap3A_56 = tpu.vector_load %arg5[%swap3A_55] {strides = array<i32>} : memref<1024xi32, #tpu.memory_space<vmem>>, vector<16xi32>,
    tpu.vector_store %arg5[%swap3A_55], %broadcast_in_dim3A_1 {strides = array<i32>} : memref<1024xi32, #tpu.memory_space<vmem>>, vector<16xi32>,
    %swap3A_57 = arith.constant 432 : index
    %swap3A_58 = tpu.vector_load %arg5[%swap3A_57] {strides = array<i32>} : memref<1024xi32, #tpu.memory_space<vmem>>, vector<16xi32>,
    tpu.vector_store %arg5[%swap3A_57], %broadcast_in_dim3A_1 {strides = array<i32>} : memref<1024xi32, #tpu.memory_space<vmem>>, vector<16xi32>,
    %swap3A_59 = arith.constant 448 : index
    %swap3A_60 = tpu.vector_load %arg5[%swap3A_59] {strides = array<i32>} : memref<1024xi32, #tpu.memory_space<vmem>>, vector<16xi32>,
    tpu.vector_store %arg5[%swap3A_59], %broadcast_in_dim3A_1 {strides = array<i32>} : memref<1024xi32, #tpu.memory_space<vmem>>, vector<16xi32>,
    %swap3A_61 = arith.constant 464 : index
    %swap3A_62 = tpu.vector_load %arg5[%swap3A_61] {strides = array<i32>} : memref<1024xi32, #tpu.memory_space<vmem>>, vector<16xi32>,
    tpu.vector_store %arg5[%swap3A_61], %broadcast_in_dim3A_1 {strides = array<i32>} : memref<1024xi32, #tpu.memory_space<vmem>>, vector<16xi32>,
    %swap3A_63 = arith.constant 480 : index
    %swap3A_64 = tpu.vector_load %arg5[%swap3A_63] {strides = array<i32>} : memref<1024xi32, #tpu.memory_space<vmem>>, vector<16xi32>,
    tpu.vector_store %arg5[%swap3A_63], %broadcast_in_dim3A_1 {strides = array<i32>} : memref<1024xi32, #tpu.memory_space<vmem>>, vector<16xi32>,
    %swap3A_65 = arith.constant 496 : index
    %swap3A_66 = tpu.vector_load %arg5[%swap3A_65] {strides = array<i32>} : memref<1024xi32, #tpu.memory_space<vmem>>, vector<16xi32>,
    tpu.vector_store %arg5[%swap3A_65], %broadcast_in_dim3A_1 {strides = array<i32>} : memref<1024xi32, #tpu.memory_space<vmem>>, vector<16xi32>,
    %swap3A_67 = arith.constant 512 : index
    %swap3A_68 = tpu.vector_load %arg5[%swap3A_67] {strides = array<i32>} : memref<1024xi32, #tpu.memory_space<vmem>>, vector<16xi32>,
    tpu.vector_store %arg5[%swap3A_67], %broadcast_in_dim3A_1 {strides = array<i32>} : memref<1024xi32, #tpu.memory_space<vmem>>, vector<16xi32>,
    %swap3A_69 = arith.constant 528 : index
    %swap3A_70 = tpu.vector_load %arg5[%swap3A_69] {strides = array<i32>} : memref<1024xi32, #tpu.memory_space<vmem>>, vector<16xi32>,
    tpu.vector_store %arg5[%swap3A_69], %broadcast_in_dim3A_1 {strides = array<i32>} : memref<1024xi32, #tpu.memory_space<vmem>>, vector<16xi32>,
    %swap3A_71 = arith.constant 544 : index
    %swap3A_72 = tpu.vector_load %arg5[%swap3A_71] {strides = array<i32>} : memref<1024xi32, #tpu.memory_space<vmem>>, vector<16xi32>,
    tpu.vector_store %arg5[%swap3A_71], %broadcast_in_dim3A_1 {strides = array<i32>} : memref<1024xi32, #tpu.memory_space<vmem>>, vector<16xi32>,
    %swap3A_73 = arith.constant 560 : index
    %swap3A_74 = tpu.vector_load %arg5[%swap3A_73] {strides = array<i32>} : memref<1024xi32, #tpu.memory_space<vmem>>, vector<16xi32>,
    tpu.vector_store %arg5[%swap3A_73], %broadcast_in_dim3A_1 {strides = array<i32>} : memref<1024xi32, #tpu.memory_space<vmem>>, vector<16xi32>,
    %swap3A_75 = arith.constant 576 : index
    %swap3A_76 = tpu.vector_load %arg5[%swap3A_75] {strides = array<i32>} : memref<1024xi32, #tpu.memory_space<vmem>>, vector<16xi32>,
    tpu.vector_store %arg5[%swap3A_75], %broadcast_in_dim3A_1 {strides = array<i32>} : memref<1024xi32, #tpu.memory_space<vmem>>, vector<16xi32>,
    %swap3A_77 = arith.constant 592 : index
    %swap3A_78 = tpu.vector_load %arg5[%swap3A_77] {strides = array<i32>} : memref<1024xi32, #tpu.memory_space<vmem>>, vector<16xi32>,
    tpu.vector_store %arg5[%swap3A_77], %broadcast_in_dim3A_1 {strides = array<i32>} : memref<1024xi32, #tpu.memory_space<vmem>>, vector<16xi32>,
    %swap3A_79 = arith.constant 608 : index
    %swap3A_80 = tpu.vector_load %arg5[%swap3A_79] {strides = array<i32>} : memref<1024xi32, #tpu.memory_space<vmem>>, vector<16xi32>,
    tpu.vector_store %arg5[%swap3A_79], %broadcast_in_dim3A_1 {strides = array<i32>} : memref<1024xi32, #tpu.memory_space<vmem>>, vector<16xi32>,
    %swap3A_81 = arith.constant 624 : index
    %swap3A_82 = tpu.vector_load %arg5[%swap3A_81] {strides = array<i32>} : memref<1024xi32, #tpu.memory_space<vmem>>, vector<16xi32>,
    tpu.vector_store %arg5[%swap3A_81], %broadcast_in_dim3A_1 {strides = array<i32>} : memref<1024xi32, #tpu.memory_space<vmem>>, vector<16xi32>,
    %swap3A_83 = arith.constant 640 : index
    %swap3A_84 = tpu.vector_load %arg5[%swap3A_83] {strides = array<i32>} : memref<1024xi32, #tpu.memory_space<vmem>>, vector<16xi32>,
    tpu.vector_store %arg5[%swap3A_83], %broadcast_in_dim3A_1 {strides = array<i32>} : memref<1024xi32, #tpu.memory_space<vmem>>, vector<16xi32>,
    %swap3A_85 = arith.constant 656 : index
    %swap3A_86 = tpu.vector_load %arg5[%swap3A_85] {strides = array<i32>} : memref<1024xi32, #tpu.memory_space<vmem>>, vector<16xi32>,
    tpu.vector_store %arg5[%swap3A_85], %broadcast_in_dim3A_1 {strides = array<i32>} : memref<1024xi32, #tpu.memory_space<vmem>>, vector<16xi32>,
    %swap3A_87 = arith.constant 672 : index
    %swap3A_88 = tpu.vector_load %arg5[%swap3A_87] {strides = array<i32>} : memref<1024xi32, #tpu.memory_space<vmem>>, vector<16xi32>,
    tpu.vector_store %arg5[%swap3A_87], %broadcast_in_dim3A_1 {strides = array<i32>} : memref<1024xi32, #tpu.memory_space<vmem>>, vector<16xi32>,
    %swap3A_89 = arith.constant 688 : index
    %swap3A_90 = tpu.vector_load %arg5[%swap3A_89] {strides = array<i32>} : memref<1024xi32, #tpu.memory_space<vmem>>, vector<16xi32>,
    tpu.vector_store %arg5[%swap3A_89], %broadcast_in_dim3A_1 {strides = array<i32>} : memref<1024xi32, #tpu.memory_space<vmem>>, vector<16xi32>,
    %swap3A_91 = arith.constant 704 : index
    %swap3A_92 = tpu.vector_load %arg5[%swap3A_91] {strides = array<i32>} : memref<1024xi32, #tpu.memory_space<vmem>>, vector<16xi32>,
    tpu.vector_store %arg5[%swap3A_91], %broadcast_in_dim3A_1 {strides = array<i32>} : memref<1024xi32, #tpu.memory_space<vmem>>, vector<16xi32>,
    %swap3A_93 = arith.constant 720 : index
    %swap3A_94 = tpu.vector_load %arg5[%swap3A_93] {strides = array<i32>} : memref<1024xi32, #tpu.memory_space<vmem>>, vector<16xi32>,
    tpu.vector_store %arg5[%swap3A_93], %broadcast_in_dim3A_1 {strides = array<i32>} : memref<1024xi32, #tpu.memory_space<vmem>>, vector<16xi32>,
    %swap3A_95 = arith.constant 736 : index
    %swap3A_96 = tpu.vector_load %arg5[%swap3A_95] {strides = array<i32>} : memref<1024xi32, #tpu.memory_space<vmem>>, vector<16xi32>,
    tpu.vector_store %arg5[%swap3A_95], %broadcast_in_dim3A_1 {strides = array<i32>} : memref<1024xi32, #tpu.memory_space<vmem>>, vector<16xi32>,
    %swap3A_97 = arith.constant 752 : index
    %swap3A_98 = tpu.vector_load %arg5[%swap3A_97] {strides = array<i32>} : memref<1024xi32, #tpu.memory_space<vmem>>, vector<16xi32>,
    tpu.vector_store %arg5[%swap3A_97], %broadcast_in_dim3A_1 {strides = array<i32>} : memref<1024xi32, #tpu.memory_space<vmem>>, vector<16xi32>,
    %swap3A_99 = arith.constant 768 : index
    %swap3A_100 = tpu.vector_load %arg5[%swap3A_99] {strides = array<i32>} : memref<1024xi32, #tpu.memory_space<vmem>>, vector<16xi32>,
    tpu.vector_store %arg5[%swap3A_99], %broadcast_in_dim3A_1 {strides = array<i32>} : memref<1024xi32, #tpu.memory_space<vmem>>, vector<16xi32>,
    %swap3A_101 = arith.constant 784 : index
    %swap3A_102 = tpu.vector_load %arg5[%swap3A_101] {strides = array<i32>} : memref<1024xi32, #tpu.memory_space<vmem>>, vector<16xi32>,
    tpu.vector_store %arg5[%swap3A_101], %broadcast_in_dim3A_1 {strides = array<i32>} : memref<1024xi32, #tpu.memory_space<vmem>>, vector<16xi32>,
    %swap3A_103 = arith.constant 800 : index
    %swap3A_104 = tpu.vector_load %arg5[%swap3A_103] {strides = array<i32>} : memref<1024xi32, #tpu.memory_space<vmem>>, vector<16xi32>,
    tpu.vector_store %arg5[%swap3A_103], %broadcast_in_dim3A_1 {strides = array<i32>} : memref<1024xi32, #tpu.memory_space<vmem>>, vector<16xi32>,
    %swap3A_105 = arith.constant 816 : index
    %swap3A_106 = tpu.vector_load %arg5[%swap3A_105] {strides = array<i32>} : memref<1024xi32, #tpu.memory_space<vmem>>, vector<16xi32>,
    tpu.vector_store %arg5[%swap3A_105], %broadcast_in_dim3A_1 {strides = array<i32>} : memref<1024xi32, #tpu.memory_space<vmem>>, vector<16xi32>,
    %swap3A_107 = arith.constant 832 : index
    %swap3A_108 = tpu.vector_load %arg5[%swap3A_107] {strides = array<i32>} : memref<1024xi32, #tpu.memory_space<vmem>>, vector<16xi32>,
    tpu.vector_store %arg5[%swap3A_107], %broadcast_in_dim3A_1 {strides = array<i32>} : memref<1024xi32, #tpu.memory_space<vmem>>, vector<16xi32>,
    %swap3A_109 = arith.constant 848 : index
    %swap3A_110 = tpu.vector_load %arg5[%swap3A_109] {strides = array<i32>} : memref<1024xi32, #tpu.memory_space<vmem>>, vector<16xi32>,
    tpu.vector_store %arg5[%swap3A_109], %broadcast_in_dim3A_1 {strides = array<i32>} : memref<1024xi32, #tpu.memory_space<vmem>>, vector<16xi32>,
    %swap3A_111 = arith.constant 864 : index
    %swap3A_112 = tpu.vector_load %arg5[%swap3A_111] {strides = array<i32>} : memref<1024xi32, #tpu.memory_space<vmem>>, vector<16xi32>,
    tpu.vector_store %arg5[%swap3A_111], %broadcast_in_dim3A_1 {strides = array<i32>} : memref<1024xi32, #tpu.memory_space<vmem>>, vector<16xi32>,
    %swap3A_113 = arith.constant 880 : index
    %swap3A_114 = tpu.vector_load %arg5[%swap3A_113] {strides = array<i32>} : memref<1024xi32, #tpu.memory_space<vmem>>, vector<16xi32>,
    tpu.vector_store %arg5[%swap3A_113], %broadcast_in_dim3A_1 {strides = array<i32>} : memref<1024xi32, #tpu.memory_space<vmem>>, vector<16xi32>,
    %swap3A_115 = arith.constant 896 : index
    %swap3A_116 = tpu.vector_load %arg5[%swap3A_115] {strides = array<i32>} : memref<1024xi32, #tpu.memory_space<vmem>>, vector<16xi32>,
    tpu.vector_store %arg5[%swap3A_115], %broadcast_in_dim3A_1 {strides = array<i32>} : memref<1024xi32, #tpu.memory_space<vmem>>, vector<16xi32>,
    %swap3A_117 = arith.constant 912 : index
    %swap3A_118 = tpu.vector_load %arg5[%swap3A_117] {strides = array<i32>} : memref<1024xi32, #tpu.memory_space<vmem>>, vector<16xi32>,
    tpu.vector_store %arg5[%swap3A_117], %broadcast_in_dim3A_1 {strides = array<i32>} : memref<1024xi32, #tpu.memory_space<vmem>>, vector<16xi32>,
    %swap3A_119 = arith.constant 928 : index
    %swap3A_120 = tpu.vector_load %arg5[%swap3A_119] {strides = array<i32>} : memref<1024xi32, #tpu.memory_space<vmem>>, vector<16xi32>,
    tpu.vector_store %arg5[%swap3A_119], %broadcast_in_dim3A_1 {strides = array<i32>} : memref<1024xi32, #tpu.memory_space<vmem>>, vector<16xi32>,
    %swap3A_121 = arith.constant 944 : index
    %swap3A_122 = tpu.vector_load %arg5[%swap3A_121] {strides = array<i32>} : memref<1024xi32, #tpu.memory_space<vmem>>, vector<16xi32>,
    tpu.vector_store %arg5[%swap3A_121], %broadcast_in_dim3A_1 {strides = array<i32>} : memref<1024xi32, #tpu.memory_space<vmem>>, vector<16xi32>,
    %swap3A_123 = arith.constant 960 : index
    %swap3A_124 = tpu.vector_load %arg5[%swap3A_123] {strides = array<i32>} : memref<1024xi32, #tpu.memory_space<vmem>>, vector<16xi32>,
    tpu.vector_store %arg5[%swap3A_123], %broadcast_in_dim3A_1 {strides = array<i32>} : memref<1024xi32, #tpu.memory_space<vmem>>, vector<16xi32>,
    %swap3A_125 = arith.constant 976 : index
    %swap3A_126 = tpu.vector_load %arg5[%swap3A_125] {strides = array<i32>} : memref<1024xi32, #tpu.memory_space<vmem>>, vector<16xi32>,
    tpu.vector_store %arg5[%swap3A_125], %broadcast_in_dim3A_1 {strides = array<i32>} : memref<1024xi32, #tpu.memory_space<vmem>>, vector<16xi32>,
    %swap3A_127 = arith.constant 992 : index
    %swap3A_128 = tpu.vector_load %arg5[%swap3A_127] {strides = array<i32>} : memref<1024xi32, #tpu.memory_space<vmem>>, vector<16xi32>,
    tpu.vector_store %arg5[%swap3A_127], %broadcast_in_dim3A_1 {strides = array<i32>} : memref<1024xi32, #tpu.memory_space<vmem>>, vector<16xi32>,
    %swap3A_129 = arith.constant 1008 : index
    %swap3A_130 = tpu.vector_load %arg5[%swap3A_129] {strides = array<i32>} : memref<1024xi32, #tpu.memory_space<vmem>>, vector<16xi32>,
    tpu.vector_store %arg5[%swap3A_129], %broadcast_in_dim3A_1 {strides = array<i32>} : memref<1024xi32, #tpu.memory_space<vmem>>, vector<16xi32>,
    %scan3A = arith.constant 0 : i32
    %scan3A_131 = arith.constant 0 : i32
    %scan3A_132 = arith.constant 128 : i32
    %scan3A_133 = arith.addi %scan3A_131, %scan3A_132 : i32
    %scan3A_134 = arith.constant 1 : i32
    scf.for %scan3A_849 = %scan3A_131 to %scan3A_133 step %scan3A_134  : i32 {
      %get3A_850 = arith.index_cast %scan3A_849 : i32 to index
      %get3A_851 = arith.constant 0 : index
      %get3A_852 = tpu.vector_load %arg4[%get3A_850, %get3A_851] {strides = array<i32>} : memref<128x128xi32, #tpu.memory_space<vmem>>, vector<16xi32>,
      %mul3A_853 = arith.constant 16 : i32
      %mul3A_854 = vector.broadcast %mul3A_853 : i32 to vector<16xi32>
      %mul3A_855 = arith.muli %get3A_852, %mul3A_854 : vector<16xi32>
      %add3A = arith.addi %mul3A_855, %iota3A : vector<16xi32>
      tpu.vector_store_idx %arg5[%add3A], %broadcast_in_dim3A_3 {add = true} : memref<1024xi32, #tpu.memory_space<vmem>>[vector<16xi32>], vector<16xi32>,
      %get3A_856 = arith.index_cast %scan3A_849 : i32 to index
      %get3A_857 = arith.constant 16 : index
      %get3A_858 = tpu.vector_load %arg4[%get3A_856, %get3A_857] {strides = array<i32>} : memref<128x128xi32, #tpu.memory_space<vmem>>, vector<16xi32>,
      %mul3A_859 = arith.constant 16 : i32
      %mul3A_860 = vector.broadcast %mul3A_859 : i32 to vector<16xi32>
      %mul3A_861 = arith.muli %get3A_858, %mul3A_860 : vector<16xi32>
      %add3A_862 = arith.addi %mul3A_861, %iota3A : vector<16xi32>
      tpu.vector_store_idx %arg5[%add3A_862], %broadcast_in_dim3A_3 {add = true} : memref<1024xi32, #tpu.memory_space<vmem>>[vector<16xi32>], vector<16xi32>,
      %get3A_863 = arith.index_cast %scan3A_849 : i32 to index
      %get3A_864 = arith.constant 32 : index
      %get3A_865 = tpu.vector_load %arg4[%get3A_863, %get3A_864] {strides = array<i32>} : memref<128x128xi32, #tpu.memory_space<vmem>>, vector<16xi32>,
      %mul3A_866 = arith.constant 16 : i32
      %mul3A_867 = vector.broadcast %mul3A_866 : i32 to vector<16xi32>
      %mul3A_868 = arith.muli %get3A_865, %mul3A_867 : vector<16xi32>
      %add3A_869 = arith.addi %mul3A_868, %iota3A : vector<16xi32>
      tpu.vector_store_idx %arg5[%add3A_869], %broadcast_in_dim3A_3 {add = true} : memref<1024xi32, #tpu.memory_space<vmem>>[vector<16xi32>], vector<16xi32>,
      %get3A_870 = arith.index_cast %scan3A_849 : i32 to index
      %get3A_871 = arith.constant 48 : index
      %get3A_872 = tpu.vector_load %arg4[%get3A_870, %get3A_871] {strides = array<i32>} : memref<128x128xi32, #tpu.memory_space<vmem>>, vector<16xi32>,
      %mul3A_873 = arith.constant 16 : i32
      %mul3A_874 = vector.broadcast %mul3A_873 : i32 to vector<16xi32>
      %mul3A_875 = arith.muli %get3A_872, %mul3A_874 : vector<16xi32>
      %add3A_876 = arith.addi %mul3A_875, %iota3A : vector<16xi32>
      tpu.vector_store_idx %arg5[%add3A_876], %broadcast_in_dim3A_3 {add = true} : memref<1024xi32, #tpu.memory_space<vmem>>[vector<16xi32>], vector<16xi32>,
      %get3A_877 = arith.index_cast %scan3A_849 : i32 to index
      %get3A_878 = arith.constant 64 : index
      %get3A_879 = tpu.vector_load %arg4[%get3A_877, %get3A_878] {strides = array<i32>} : memref<128x128xi32, #tpu.memory_space<vmem>>, vector<16xi32>,
      %mul3A_880 = arith.constant 16 : i32
      %mul3A_881 = vector.broadcast %mul3A_880 : i32 to vector<16xi32>
      %mul3A_882 = arith.muli %get3A_879, %mul3A_881 : vector<16xi32>
      %add3A_883 = arith.addi %mul3A_882, %iota3A : vector<16xi32>
      tpu.vector_store_idx %arg5[%add3A_883], %broadcast_in_dim3A_3 {add = true} : memref<1024xi32, #tpu.memory_space<vmem>>[vector<16xi32>], vector<16xi32>,
      %get3A_884 = arith.index_cast %scan3A_849 : i32 to index
      %get3A_885 = arith.constant 80 : index
      %get3A_886 = tpu.vector_load %arg4[%get3A_884, %get3A_885] {strides = array<i32>} : memref<128x128xi32, #tpu.memory_space<vmem>>, vector<16xi32>,
      %mul3A_887 = arith.constant 16 : i32
      %mul3A_888 = vector.broadcast %mul3A_887 : i32 to vector<16xi32>
      %mul3A_889 = arith.muli %get3A_886, %mul3A_888 : vector<16xi32>
      %add3A_890 = arith.addi %mul3A_889, %iota3A : vector<16xi32>
      tpu.vector_store_idx %arg5[%add3A_890], %broadcast_in_dim3A_3 {add = true} : memref<1024xi32, #tpu.memory_space<vmem>>[vector<16xi32>], vector<16xi32>,
      %get3A_891 = arith.index_cast %scan3A_849 : i32 to index
      %get3A_892 = arith.constant 96 : index
      %get3A_893 = tpu.vector_load %arg4[%get3A_891, %get3A_892] {strides = array<i32>} : memref<128x128xi32, #tpu.memory_space<vmem>>, vector<16xi32>,
      %mul3A_894 = arith.constant 16 : i32
      %mul3A_895 = vector.broadcast %mul3A_894 : i32 to vector<16xi32>
      %mul3A_896 = arith.muli %get3A_893, %mul3A_895 : vector<16xi32>
      %add3A_897 = arith.addi %mul3A_896, %iota3A : vector<16xi32>
      tpu.vector_store_idx %arg5[%add3A_897], %broadcast_in_dim3A_3 {add = true} : memref<1024xi32, #tpu.memory_space<vmem>>[vector<16xi32>], vector<16xi32>,
      %get3A_898 = arith.index_cast %scan3A_849 : i32 to index
      %get3A_899 = arith.constant 112 : index
      %get3A_900 = tpu.vector_load %arg4[%get3A_898, %get3A_899] {strides = array<i32>} : memref<128x128xi32, #tpu.memory_space<vmem>>, vector<16xi32>,
      %mul3A_901 = arith.constant 16 : i32
      %mul3A_902 = vector.broadcast %mul3A_901 : i32 to vector<16xi32>
      %mul3A_903 = arith.muli %get3A_900, %mul3A_902 : vector<16xi32>
      %add3A_904 = arith.addi %mul3A_903, %iota3A : vector<16xi32>
      tpu.vector_store_idx %arg5[%add3A_904], %broadcast_in_dim3A_3 {add = true} : memref<1024xi32, #tpu.memory_space<vmem>>[vector<16xi32>], vector<16xi32>,
    }
    %scan3A_135 = arith.constant 128 : i32
    %get3A = arith.constant 0 : index
    %get3A_136 = tpu.vector_load %arg5[%get3A] {strides = array<i32>} : memref<1024xi32, #tpu.memory_space<vmem>>, vector<16xi32>,
    %reduce_sum3A = arith.constant true
    %reduce_sum3A_137 = vector.broadcast %reduce_sum3A : i1 to vector<16xi1>
    %reduce_sum3A_138 = tpu.scan <sum>, %get3A_136 masked %reduce_sum3A_137 : vector<16xi32>, vector<16xi1> -> vector<16xi32>
    %reduce_sum3A_139 = vector.extract %reduce_sum3A_138[15] : i32 from vector<16xi32>
    %eq3A = arith.constant 0 : i32
    %eq3A_140 = vector.broadcast %eq3A : i32 to vector<16xi32>
    %eq3A_141 = arith.cmpi eq, %iota3A, %eq3A_140 : vector<16xi32>
    %broadcast_in_dim3A_142 = vector.broadcast %reduce_sum3A_139 : i32 to vector<16xi32>
    %select_n3A = arith.select %eq3A_141, %broadcast_in_dim3A_142, %broadcast_in_dim3A_1 : vector<16xi1>, vector<16xi32>
    %get3A_143 = arith.constant 16 : index
    %get3A_144 = tpu.vector_load %arg5[%get3A_143] {strides = array<i32>} : memref<1024xi32, #tpu.memory_space<vmem>>, vector<16xi32>,
    %reduce_sum3A_145 = arith.constant true
    %reduce_sum3A_146 = vector.broadcast %reduce_sum3A_145 : i1 to vector<16xi1>
    %reduce_sum3A_147 = tpu.scan <sum>, %get3A_144 masked %reduce_sum3A_146 : vector<16xi32>, vector<16xi1> -> vector<16xi32>
    %reduce_sum3A_148 = vector.extract %reduce_sum3A_147[15] : i32 from vector<16xi32>
    %eq3A_149 = arith.constant 1 : i32
    %eq3A_150 = vector.broadcast %eq3A_149 : i32 to vector<16xi32>
    %eq3A_151 = arith.cmpi eq, %iota3A, %eq3A_150 : vector<16xi32>
    %broadcast_in_dim3A_152 = vector.broadcast %reduce_sum3A_148 : i32 to vector<16xi32>
    %select_n3A_153 = arith.select %eq3A_151, %broadcast_in_dim3A_152, %select_n3A : vector<16xi1>, vector<16xi32>
    %get3A_154 = arith.constant 32 : index
    %get3A_155 = tpu.vector_load %arg5[%get3A_154] {strides = array<i32>} : memref<1024xi32, #tpu.memory_space<vmem>>, vector<16xi32>,
    %reduce_sum3A_156 = arith.constant true
    %reduce_sum3A_157 = vector.broadcast %reduce_sum3A_156 : i1 to vector<16xi1>
    %reduce_sum3A_158 = tpu.scan <sum>, %get3A_155 masked %reduce_sum3A_157 : vector<16xi32>, vector<16xi1> -> vector<16xi32>
    %reduce_sum3A_159 = vector.extract %reduce_sum3A_158[15] : i32 from vector<16xi32>
    %eq3A_160 = arith.constant 2 : i32
    %eq3A_161 = vector.broadcast %eq3A_160 : i32 to vector<16xi32>
    %eq3A_162 = arith.cmpi eq, %iota3A, %eq3A_161 : vector<16xi32>
    %broadcast_in_dim3A_163 = vector.broadcast %reduce_sum3A_159 : i32 to vector<16xi32>
    %select_n3A_164 = arith.select %eq3A_162, %broadcast_in_dim3A_163, %select_n3A_153 : vector<16xi1>, vector<16xi32>
    %get3A_165 = arith.constant 48 : index
    %get3A_166 = tpu.vector_load %arg5[%get3A_165] {strides = array<i32>} : memref<1024xi32, #tpu.memory_space<vmem>>, vector<16xi32>,
    %reduce_sum3A_167 = arith.constant true
    %reduce_sum3A_168 = vector.broadcast %reduce_sum3A_167 : i1 to vector<16xi1>
    %reduce_sum3A_169 = tpu.scan <sum>, %get3A_166 masked %reduce_sum3A_168 : vector<16xi32>, vector<16xi1> -> vector<16xi32>
    %reduce_sum3A_170 = vector.extract %reduce_sum3A_169[15] : i32 from vector<16xi32>
    %eq3A_171 = arith.constant 3 : i32
    %eq3A_172 = vector.broadcast %eq3A_171 : i32 to vector<16xi32>
    %eq3A_173 = arith.cmpi eq, %iota3A, %eq3A_172 : vector<16xi32>
    %broadcast_in_dim3A_174 = vector.broadcast %reduce_sum3A_170 : i32 to vector<16xi32>
    %select_n3A_175 = arith.select %eq3A_173, %broadcast_in_dim3A_174, %select_n3A_164 : vector<16xi1>, vector<16xi32>
    %get3A_176 = arith.constant 64 : index
    %get3A_177 = tpu.vector_load %arg5[%get3A_176] {strides = array<i32>} : memref<1024xi32, #tpu.memory_space<vmem>>, vector<16xi32>,
    %reduce_sum3A_178 = arith.constant true
    %reduce_sum3A_179 = vector.broadcast %reduce_sum3A_178 : i1 to vector<16xi1>
    %reduce_sum3A_180 = tpu.scan <sum>, %get3A_177 masked %reduce_sum3A_179 : vector<16xi32>, vector<16xi1> -> vector<16xi32>
    %reduce_sum3A_181 = vector.extract %reduce_sum3A_180[15] : i32 from vector<16xi32>
    %eq3A_182 = arith.constant 4 : i32
    %eq3A_183 = vector.broadcast %eq3A_182 : i32 to vector<16xi32>
    %eq3A_184 = arith.cmpi eq, %iota3A, %eq3A_183 : vector<16xi32>
    %broadcast_in_dim3A_185 = vector.broadcast %reduce_sum3A_181 : i32 to vector<16xi32>
    %select_n3A_186 = arith.select %eq3A_184, %broadcast_in_dim3A_185, %select_n3A_175 : vector<16xi1>, vector<16xi32>
    %get3A_187 = arith.constant 80 : index
    %get3A_188 = tpu.vector_load %arg5[%get3A_187] {strides = array<i32>} : memref<1024xi32, #tpu.memory_space<vmem>>, vector<16xi32>,
    %reduce_sum3A_189 = arith.constant true
    %reduce_sum3A_190 = vector.broadcast %reduce_sum3A_189 : i1 to vector<16xi1>
    %reduce_sum3A_191 = tpu.scan <sum>, %get3A_188 masked %reduce_sum3A_190 : vector<16xi32>, vector<16xi1> -> vector<16xi32>
    %reduce_sum3A_192 = vector.extract %reduce_sum3A_191[15] : i32 from vector<16xi32>
    %eq3A_193 = arith.constant 5 : i32
    %eq3A_194 = vector.broadcast %eq3A_193 : i32 to vector<16xi32>
    %eq3A_195 = arith.cmpi eq, %iota3A, %eq3A_194 : vector<16xi32>
    %broadcast_in_dim3A_196 = vector.broadcast %reduce_sum3A_192 : i32 to vector<16xi32>
    %select_n3A_197 = arith.select %eq3A_195, %broadcast_in_dim3A_196, %select_n3A_186 : vector<16xi1>, vector<16xi32>
    %get3A_198 = arith.constant 96 : index
    %get3A_199 = tpu.vector_load %arg5[%get3A_198] {strides = array<i32>} : memref<1024xi32, #tpu.memory_space<vmem>>, vector<16xi32>,
    %reduce_sum3A_200 = arith.constant true
    %reduce_sum3A_201 = vector.broadcast %reduce_sum3A_200 : i1 to vector<16xi1>
    %reduce_sum3A_202 = tpu.scan <sum>, %get3A_199 masked %reduce_sum3A_201 : vector<16xi32>, vector<16xi1> -> vector<16xi32>
    %reduce_sum3A_203 = vector.extract %reduce_sum3A_202[15] : i32 from vector<16xi32>
    %eq3A_204 = arith.constant 6 : i32
    %eq3A_205 = vector.broadcast %eq3A_204 : i32 to vector<16xi32>
    %eq3A_206 = arith.cmpi eq, %iota3A, %eq3A_205 : vector<16xi32>
    %broadcast_in_dim3A_207 = vector.broadcast %reduce_sum3A_203 : i32 to vector<16xi32>
    %select_n3A_208 = arith.select %eq3A_206, %broadcast_in_dim3A_207, %select_n3A_197 : vector<16xi1>, vector<16xi32>
    %get3A_209 = arith.constant 112 : index
    %get3A_210 = tpu.vector_load %arg5[%get3A_209] {strides = array<i32>} : memref<1024xi32, #tpu.memory_space<vmem>>, vector<16xi32>,
    %reduce_sum3A_211 = arith.constant true
    %reduce_sum3A_212 = vector.broadcast %reduce_sum3A_211 : i1 to vector<16xi1>
    %reduce_sum3A_213 = tpu.scan <sum>, %get3A_210 masked %reduce_sum3A_212 : vector<16xi32>, vector<16xi1> -> vector<16xi32>
    %reduce_sum3A_214 = vector.extract %reduce_sum3A_213[15] : i32 from vector<16xi32>
    %eq3A_215 = arith.constant 7 : i32
    %eq3A_216 = vector.broadcast %eq3A_215 : i32 to vector<16xi32>
    %eq3A_217 = arith.cmpi eq, %iota3A, %eq3A_216 : vector<16xi32>
    %broadcast_in_dim3A_218 = vector.broadcast %reduce_sum3A_214 : i32 to vector<16xi32>
    %select_n3A_219 = arith.select %eq3A_217, %broadcast_in_dim3A_218, %select_n3A_208 : vector<16xi1>, vector<16xi32>
    %get3A_220 = arith.constant 128 : index
    %get3A_221 = tpu.vector_load %arg5[%get3A_220] {strides = array<i32>} : memref<1024xi32, #tpu.memory_space<vmem>>, vector<16xi32>,
    %reduce_sum3A_222 = arith.constant true
    %reduce_sum3A_223 = vector.broadcast %reduce_sum3A_222 : i1 to vector<16xi1>
    %reduce_sum3A_224 = tpu.scan <sum>, %get3A_221 masked %reduce_sum3A_223 : vector<16xi32>, vector<16xi1> -> vector<16xi32>
    %reduce_sum3A_225 = vector.extract %reduce_sum3A_224[15] : i32 from vector<16xi32>
    %eq3A_226 = arith.constant 8 : i32
    %eq3A_227 = vector.broadcast %eq3A_226 : i32 to vector<16xi32>
    %eq3A_228 = arith.cmpi eq, %iota3A, %eq3A_227 : vector<16xi32>
    %broadcast_in_dim3A_229 = vector.broadcast %reduce_sum3A_225 : i32 to vector<16xi32>
    %select_n3A_230 = arith.select %eq3A_228, %broadcast_in_dim3A_229, %select_n3A_219 : vector<16xi1>, vector<16xi32>
    %get3A_231 = arith.constant 144 : index
    %get3A_232 = tpu.vector_load %arg5[%get3A_231] {strides = array<i32>} : memref<1024xi32, #tpu.memory_space<vmem>>, vector<16xi32>,
    %reduce_sum3A_233 = arith.constant true
    %reduce_sum3A_234 = vector.broadcast %reduce_sum3A_233 : i1 to vector<16xi1>
    %reduce_sum3A_235 = tpu.scan <sum>, %get3A_232 masked %reduce_sum3A_234 : vector<16xi32>, vector<16xi1> -> vector<16xi32>
    %reduce_sum3A_236 = vector.extract %reduce_sum3A_235[15] : i32 from vector<16xi32>
    %eq3A_237 = arith.constant 9 : i32
    %eq3A_238 = vector.broadcast %eq3A_237 : i32 to vector<16xi32>
    %eq3A_239 = arith.cmpi eq, %iota3A, %eq3A_238 : vector<16xi32>
    %broadcast_in_dim3A_240 = vector.broadcast %reduce_sum3A_236 : i32 to vector<16xi32>
    %select_n3A_241 = arith.select %eq3A_239, %broadcast_in_dim3A_240, %select_n3A_230 : vector<16xi1>, vector<16xi32>
    %get3A_242 = arith.constant 160 : index
    %get3A_243 = tpu.vector_load %arg5[%get3A_242] {strides = array<i32>} : memref<1024xi32, #tpu.memory_space<vmem>>, vector<16xi32>,
    %reduce_sum3A_244 = arith.constant true
    %reduce_sum3A_245 = vector.broadcast %reduce_sum3A_244 : i1 to vector<16xi1>
    %reduce_sum3A_246 = tpu.scan <sum>, %get3A_243 masked %reduce_sum3A_245 : vector<16xi32>, vector<16xi1> -> vector<16xi32>
    %reduce_sum3A_247 = vector.extract %reduce_sum3A_246[15] : i32 from vector<16xi32>
    %eq3A_248 = arith.constant 10 : i32
    %eq3A_249 = vector.broadcast %eq3A_248 : i32 to vector<16xi32>
    %eq3A_250 = arith.cmpi eq, %iota3A, %eq3A_249 : vector<16xi32>
    %broadcast_in_dim3A_251 = vector.broadcast %reduce_sum3A_247 : i32 to vector<16xi32>
    %select_n3A_252 = arith.select %eq3A_250, %broadcast_in_dim3A_251, %select_n3A_241 : vector<16xi1>, vector<16xi32>
    %get3A_253 = arith.constant 176 : index
    %get3A_254 = tpu.vector_load %arg5[%get3A_253] {strides = array<i32>} : memref<1024xi32, #tpu.memory_space<vmem>>, vector<16xi32>,
    %reduce_sum3A_255 = arith.constant true
    %reduce_sum3A_256 = vector.broadcast %reduce_sum3A_255 : i1 to vector<16xi1>
    %reduce_sum3A_257 = tpu.scan <sum>, %get3A_254 masked %reduce_sum3A_256 : vector<16xi32>, vector<16xi1> -> vector<16xi32>
    %reduce_sum3A_258 = vector.extract %reduce_sum3A_257[15] : i32 from vector<16xi32>
    %eq3A_259 = arith.constant 11 : i32
    %eq3A_260 = vector.broadcast %eq3A_259 : i32 to vector<16xi32>
    %eq3A_261 = arith.cmpi eq, %iota3A, %eq3A_260 : vector<16xi32>
    %broadcast_in_dim3A_262 = vector.broadcast %reduce_sum3A_258 : i32 to vector<16xi32>
    %select_n3A_263 = arith.select %eq3A_261, %broadcast_in_dim3A_262, %select_n3A_252 : vector<16xi1>, vector<16xi32>
    %get3A_264 = arith.constant 192 : index
    %get3A_265 = tpu.vector_load %arg5[%get3A_264] {strides = array<i32>} : memref<1024xi32, #tpu.memory_space<vmem>>, vector<16xi32>,
    %reduce_sum3A_266 = arith.constant true
    %reduce_sum3A_267 = vector.broadcast %reduce_sum3A_266 : i1 to vector<16xi1>
    %reduce_sum3A_268 = tpu.scan <sum>, %get3A_265 masked %reduce_sum3A_267 : vector<16xi32>, vector<16xi1> -> vector<16xi32>
    %reduce_sum3A_269 = vector.extract %reduce_sum3A_268[15] : i32 from vector<16xi32>
    %eq3A_270 = arith.constant 12 : i32
    %eq3A_271 = vector.broadcast %eq3A_270 : i32 to vector<16xi32>
    %eq3A_272 = arith.cmpi eq, %iota3A, %eq3A_271 : vector<16xi32>
    %broadcast_in_dim3A_273 = vector.broadcast %reduce_sum3A_269 : i32 to vector<16xi32>
    %select_n3A_274 = arith.select %eq3A_272, %broadcast_in_dim3A_273, %select_n3A_263 : vector<16xi1>, vector<16xi32>
    %get3A_275 = arith.constant 208 : index
    %get3A_276 = tpu.vector_load %arg5[%get3A_275] {strides = array<i32>} : memref<1024xi32, #tpu.memory_space<vmem>>, vector<16xi32>,
    %reduce_sum3A_277 = arith.constant true
    %reduce_sum3A_278 = vector.broadcast %reduce_sum3A_277 : i1 to vector<16xi1>
    %reduce_sum3A_279 = tpu.scan <sum>, %get3A_276 masked %reduce_sum3A_278 : vector<16xi32>, vector<16xi1> -> vector<16xi32>
    %reduce_sum3A_280 = vector.extract %reduce_sum3A_279[15] : i32 from vector<16xi32>
    %eq3A_281 = arith.constant 13 : i32
    %eq3A_282 = vector.broadcast %eq3A_281 : i32 to vector<16xi32>
    %eq3A_283 = arith.cmpi eq, %iota3A, %eq3A_282 : vector<16xi32>
    %broadcast_in_dim3A_284 = vector.broadcast %reduce_sum3A_280 : i32 to vector<16xi32>
    %select_n3A_285 = arith.select %eq3A_283, %broadcast_in_dim3A_284, %select_n3A_274 : vector<16xi1>, vector<16xi32>
    %get3A_286 = arith.constant 224 : index
    %get3A_287 = tpu.vector_load %arg5[%get3A_286] {strides = array<i32>} : memref<1024xi32, #tpu.memory_space<vmem>>, vector<16xi32>,
    %reduce_sum3A_288 = arith.constant true
    %reduce_sum3A_289 = vector.broadcast %reduce_sum3A_288 : i1 to vector<16xi1>
    %reduce_sum3A_290 = tpu.scan <sum>, %get3A_287 masked %reduce_sum3A_289 : vector<16xi32>, vector<16xi1> -> vector<16xi32>
    %reduce_sum3A_291 = vector.extract %reduce_sum3A_290[15] : i32 from vector<16xi32>
    %eq3A_292 = arith.constant 14 : i32
    %eq3A_293 = vector.broadcast %eq3A_292 : i32 to vector<16xi32>
    %eq3A_294 = arith.cmpi eq, %iota3A, %eq3A_293 : vector<16xi32>
    %broadcast_in_dim3A_295 = vector.broadcast %reduce_sum3A_291 : i32 to vector<16xi32>
    %select_n3A_296 = arith.select %eq3A_294, %broadcast_in_dim3A_295, %select_n3A_285 : vector<16xi1>, vector<16xi32>
    %get3A_297 = arith.constant 240 : index
    %get3A_298 = tpu.vector_load %arg5[%get3A_297] {strides = array<i32>} : memref<1024xi32, #tpu.memory_space<vmem>>, vector<16xi32>,
    %reduce_sum3A_299 = arith.constant true
    %reduce_sum3A_300 = vector.broadcast %reduce_sum3A_299 : i1 to vector<16xi1>
    %reduce_sum3A_301 = tpu.scan <sum>, %get3A_298 masked %reduce_sum3A_300 : vector<16xi32>, vector<16xi1> -> vector<16xi32>
    %reduce_sum3A_302 = vector.extract %reduce_sum3A_301[15] : i32 from vector<16xi32>
    %eq3A_303 = arith.constant 15 : i32
    %eq3A_304 = vector.broadcast %eq3A_303 : i32 to vector<16xi32>
    %eq3A_305 = arith.cmpi eq, %iota3A, %eq3A_304 : vector<16xi32>
    %broadcast_in_dim3A_306 = vector.broadcast %reduce_sum3A_302 : i32 to vector<16xi32>
    %select_n3A_307 = arith.select %eq3A_305, %broadcast_in_dim3A_306, %select_n3A_296 : vector<16xi1>, vector<16xi32>
    %swap3A_308 = arith.constant 0 : index
    %swap3A_309 = tpu.vector_load %arg6[%swap3A_308] {strides = array<i32>} : memref<64xi32, #tpu.memory_space<vmem>>, vector<16xi32>,
    tpu.vector_store %arg6[%swap3A_308], %select_n3A_307 {strides = array<i32>} : memref<64xi32, #tpu.memory_space<vmem>>, vector<16xi32>,
    %get3A_310 = arith.constant 256 : index
    %get3A_311 = tpu.vector_load %arg5[%get3A_310] {strides = array<i32>} : memref<1024xi32, #tpu.memory_space<vmem>>, vector<16xi32>,
    %reduce_sum3A_312 = arith.constant true
    %reduce_sum3A_313 = vector.broadcast %reduce_sum3A_312 : i1 to vector<16xi1>
    %reduce_sum3A_314 = tpu.scan <sum>, %get3A_311 masked %reduce_sum3A_313 : vector<16xi32>, vector<16xi1> -> vector<16xi32>
    %reduce_sum3A_315 = vector.extract %reduce_sum3A_314[15] : i32 from vector<16xi32>
    %eq3A_316 = arith.constant 0 : i32
    %eq3A_317 = vector.broadcast %eq3A_316 : i32 to vector<16xi32>
    %eq3A_318 = arith.cmpi eq, %iota3A, %eq3A_317 : vector<16xi32>
    %broadcast_in_dim3A_319 = vector.broadcast %reduce_sum3A_315 : i32 to vector<16xi32>
    %select_n3A_320 = arith.select %eq3A_318, %broadcast_in_dim3A_319, %broadcast_in_dim3A_1 : vector<16xi1>, vector<16xi32>
    %get3A_321 = arith.constant 272 : index
    %get3A_322 = tpu.vector_load %arg5[%get3A_321] {strides = array<i32>} : memref<1024xi32, #tpu.memory_space<vmem>>, vector<16xi32>,
    %reduce_sum3A_323 = arith.constant true
    %reduce_sum3A_324 = vector.broadcast %reduce_sum3A_323 : i1 to vector<16xi1>
    %reduce_sum3A_325 = tpu.scan <sum>, %get3A_322 masked %reduce_sum3A_324 : vector<16xi32>, vector<16xi1> -> vector<16xi32>
    %reduce_sum3A_326 = vector.extract %reduce_sum3A_325[15] : i32 from vector<16xi32>
    %eq3A_327 = arith.constant 1 : i32
    %eq3A_328 = vector.broadcast %eq3A_327 : i32 to vector<16xi32>
    %eq3A_329 = arith.cmpi eq, %iota3A, %eq3A_328 : vector<16xi32>
    %broadcast_in_dim3A_330 = vector.broadcast %reduce_sum3A_326 : i32 to vector<16xi32>
    %select_n3A_331 = arith.select %eq3A_329, %broadcast_in_dim3A_330, %select_n3A_320 : vector<16xi1>, vector<16xi32>
    %get3A_332 = arith.constant 288 : index
    %get3A_333 = tpu.vector_load %arg5[%get3A_332] {strides = array<i32>} : memref<1024xi32, #tpu.memory_space<vmem>>, vector<16xi32>,
    %reduce_sum3A_334 = arith.constant true
    %reduce_sum3A_335 = vector.broadcast %reduce_sum3A_334 : i1 to vector<16xi1>
    %reduce_sum3A_336 = tpu.scan <sum>, %get3A_333 masked %reduce_sum3A_335 : vector<16xi32>, vector<16xi1> -> vector<16xi32>
    %reduce_sum3A_337 = vector.extract %reduce_sum3A_336[15] : i32 from vector<16xi32>
    %eq3A_338 = arith.constant 2 : i32
    %eq3A_339 = vector.broadcast %eq3A_338 : i32 to vector<16xi32>
    %eq3A_340 = arith.cmpi eq, %iota3A, %eq3A_339 : vector<16xi32>
    %broadcast_in_dim3A_341 = vector.broadcast %reduce_sum3A_337 : i32 to vector<16xi32>
    %select_n3A_342 = arith.select %eq3A_340, %broadcast_in_dim3A_341, %select_n3A_331 : vector<16xi1>, vector<16xi32>
    %get3A_343 = arith.constant 304 : index
    %get3A_344 = tpu.vector_load %arg5[%get3A_343] {strides = array<i32>} : memref<1024xi32, #tpu.memory_space<vmem>>, vector<16xi32>,
    %reduce_sum3A_345 = arith.constant true
    %reduce_sum3A_346 = vector.broadcast %reduce_sum3A_345 : i1 to vector<16xi1>
    %reduce_sum3A_347 = tpu.scan <sum>, %get3A_344 masked %reduce_sum3A_346 : vector<16xi32>, vector<16xi1> -> vector<16xi32>
    %reduce_sum3A_348 = vector.extract %reduce_sum3A_347[15] : i32 from vector<16xi32>
    %eq3A_349 = arith.constant 3 : i32
    %eq3A_350 = vector.broadcast %eq3A_349 : i32 to vector<16xi32>
    %eq3A_351 = arith.cmpi eq, %iota3A, %eq3A_350 : vector<16xi32>
    %broadcast_in_dim3A_352 = vector.broadcast %reduce_sum3A_348 : i32 to vector<16xi32>
    %select_n3A_353 = arith.select %eq3A_351, %broadcast_in_dim3A_352, %select_n3A_342 : vector<16xi1>, vector<16xi32>
    %get3A_354 = arith.constant 320 : index
    %get3A_355 = tpu.vector_load %arg5[%get3A_354] {strides = array<i32>} : memref<1024xi32, #tpu.memory_space<vmem>>, vector<16xi32>,
    %reduce_sum3A_356 = arith.constant true
    %reduce_sum3A_357 = vector.broadcast %reduce_sum3A_356 : i1 to vector<16xi1>
    %reduce_sum3A_358 = tpu.scan <sum>, %get3A_355 masked %reduce_sum3A_357 : vector<16xi32>, vector<16xi1> -> vector<16xi32>
    %reduce_sum3A_359 = vector.extract %reduce_sum3A_358[15] : i32 from vector<16xi32>
    %eq3A_360 = arith.constant 4 : i32
    %eq3A_361 = vector.broadcast %eq3A_360 : i32 to vector<16xi32>
    %eq3A_362 = arith.cmpi eq, %iota3A, %eq3A_361 : vector<16xi32>
    %broadcast_in_dim3A_363 = vector.broadcast %reduce_sum3A_359 : i32 to vector<16xi32>
    %select_n3A_364 = arith.select %eq3A_362, %broadcast_in_dim3A_363, %select_n3A_353 : vector<16xi1>, vector<16xi32>
    %get3A_365 = arith.constant 336 : index
    %get3A_366 = tpu.vector_load %arg5[%get3A_365] {strides = array<i32>} : memref<1024xi32, #tpu.memory_space<vmem>>, vector<16xi32>,
    %reduce_sum3A_367 = arith.constant true
    %reduce_sum3A_368 = vector.broadcast %reduce_sum3A_367 : i1 to vector<16xi1>
    %reduce_sum3A_369 = tpu.scan <sum>, %get3A_366 masked %reduce_sum3A_368 : vector<16xi32>, vector<16xi1> -> vector<16xi32>
    %reduce_sum3A_370 = vector.extract %reduce_sum3A_369[15] : i32 from vector<16xi32>
    %eq3A_371 = arith.constant 5 : i32
    %eq3A_372 = vector.broadcast %eq3A_371 : i32 to vector<16xi32>
    %eq3A_373 = arith.cmpi eq, %iota3A, %eq3A_372 : vector<16xi32>
    %broadcast_in_dim3A_374 = vector.broadcast %reduce_sum3A_370 : i32 to vector<16xi32>
    %select_n3A_375 = arith.select %eq3A_373, %broadcast_in_dim3A_374, %select_n3A_364 : vector<16xi1>, vector<16xi32>
    %get3A_376 = arith.constant 352 : index
    %get3A_377 = tpu.vector_load %arg5[%get3A_376] {strides = array<i32>} : memref<1024xi32, #tpu.memory_space<vmem>>, vector<16xi32>,
    %reduce_sum3A_378 = arith.constant true
    %reduce_sum3A_379 = vector.broadcast %reduce_sum3A_378 : i1 to vector<16xi1>
    %reduce_sum3A_380 = tpu.scan <sum>, %get3A_377 masked %reduce_sum3A_379 : vector<16xi32>, vector<16xi1> -> vector<16xi32>
    %reduce_sum3A_381 = vector.extract %reduce_sum3A_380[15] : i32 from vector<16xi32>
    %eq3A_382 = arith.constant 6 : i32
    %eq3A_383 = vector.broadcast %eq3A_382 : i32 to vector<16xi32>
    %eq3A_384 = arith.cmpi eq, %iota3A, %eq3A_383 : vector<16xi32>
    %broadcast_in_dim3A_385 = vector.broadcast %reduce_sum3A_381 : i32 to vector<16xi32>
    %select_n3A_386 = arith.select %eq3A_384, %broadcast_in_dim3A_385, %select_n3A_375 : vector<16xi1>, vector<16xi32>
    %get3A_387 = arith.constant 368 : index
    %get3A_388 = tpu.vector_load %arg5[%get3A_387] {strides = array<i32>} : memref<1024xi32, #tpu.memory_space<vmem>>, vector<16xi32>,
    %reduce_sum3A_389 = arith.constant true
    %reduce_sum3A_390 = vector.broadcast %reduce_sum3A_389 : i1 to vector<16xi1>
    %reduce_sum3A_391 = tpu.scan <sum>, %get3A_388 masked %reduce_sum3A_390 : vector<16xi32>, vector<16xi1> -> vector<16xi32>
    %reduce_sum3A_392 = vector.extract %reduce_sum3A_391[15] : i32 from vector<16xi32>
    %eq3A_393 = arith.constant 7 : i32
    %eq3A_394 = vector.broadcast %eq3A_393 : i32 to vector<16xi32>
    %eq3A_395 = arith.cmpi eq, %iota3A, %eq3A_394 : vector<16xi32>
    %broadcast_in_dim3A_396 = vector.broadcast %reduce_sum3A_392 : i32 to vector<16xi32>
    %select_n3A_397 = arith.select %eq3A_395, %broadcast_in_dim3A_396, %select_n3A_386 : vector<16xi1>, vector<16xi32>
    %get3A_398 = arith.constant 384 : index
    %get3A_399 = tpu.vector_load %arg5[%get3A_398] {strides = array<i32>} : memref<1024xi32, #tpu.memory_space<vmem>>, vector<16xi32>,
    %reduce_sum3A_400 = arith.constant true
    %reduce_sum3A_401 = vector.broadcast %reduce_sum3A_400 : i1 to vector<16xi1>
    %reduce_sum3A_402 = tpu.scan <sum>, %get3A_399 masked %reduce_sum3A_401 : vector<16xi32>, vector<16xi1> -> vector<16xi32>
    %reduce_sum3A_403 = vector.extract %reduce_sum3A_402[15] : i32 from vector<16xi32>
    %eq3A_404 = arith.constant 8 : i32
    %eq3A_405 = vector.broadcast %eq3A_404 : i32 to vector<16xi32>
    %eq3A_406 = arith.cmpi eq, %iota3A, %eq3A_405 : vector<16xi32>
    %broadcast_in_dim3A_407 = vector.broadcast %reduce_sum3A_403 : i32 to vector<16xi32>
    %select_n3A_408 = arith.select %eq3A_406, %broadcast_in_dim3A_407, %select_n3A_397 : vector<16xi1>, vector<16xi32>
    %get3A_409 = arith.constant 400 : index
    %get3A_410 = tpu.vector_load %arg5[%get3A_409] {strides = array<i32>} : memref<1024xi32, #tpu.memory_space<vmem>>, vector<16xi32>,
    %reduce_sum3A_411 = arith.constant true
    %reduce_sum3A_412 = vector.broadcast %reduce_sum3A_411 : i1 to vector<16xi1>
    %reduce_sum3A_413 = tpu.scan <sum>, %get3A_410 masked %reduce_sum3A_412 : vector<16xi32>, vector<16xi1> -> vector<16xi32>
    %reduce_sum3A_414 = vector.extract %reduce_sum3A_413[15] : i32 from vector<16xi32>
    %eq3A_415 = arith.constant 9 : i32
    %eq3A_416 = vector.broadcast %eq3A_415 : i32 to vector<16xi32>
    %eq3A_417 = arith.cmpi eq, %iota3A, %eq3A_416 : vector<16xi32>
    %broadcast_in_dim3A_418 = vector.broadcast %reduce_sum3A_414 : i32 to vector<16xi32>
    %select_n3A_419 = arith.select %eq3A_417, %broadcast_in_dim3A_418, %select_n3A_408 : vector<16xi1>, vector<16xi32>
    %get3A_420 = arith.constant 416 : index
    %get3A_421 = tpu.vector_load %arg5[%get3A_420] {strides = array<i32>} : memref<1024xi32, #tpu.memory_space<vmem>>, vector<16xi32>,
    %reduce_sum3A_422 = arith.constant true
    %reduce_sum3A_423 = vector.broadcast %reduce_sum3A_422 : i1 to vector<16xi1>
    %reduce_sum3A_424 = tpu.scan <sum>, %get3A_421 masked %reduce_sum3A_423 : vector<16xi32>, vector<16xi1> -> vector<16xi32>
    %reduce_sum3A_425 = vector.extract %reduce_sum3A_424[15] : i32 from vector<16xi32>
    %eq3A_426 = arith.constant 10 : i32
    %eq3A_427 = vector.broadcast %eq3A_426 : i32 to vector<16xi32>
    %eq3A_428 = arith.cmpi eq, %iota3A, %eq3A_427 : vector<16xi32>
    %broadcast_in_dim3A_429 = vector.broadcast %reduce_sum3A_425 : i32 to vector<16xi32>
    %select_n3A_430 = arith.select %eq3A_428, %broadcast_in_dim3A_429, %select_n3A_419 : vector<16xi1>, vector<16xi32>
    %get3A_431 = arith.constant 432 : index
    %get3A_432 = tpu.vector_load %arg5[%get3A_431] {strides = array<i32>} : memref<1024xi32, #tpu.memory_space<vmem>>, vector<16xi32>,
    %reduce_sum3A_433 = arith.constant true
    %reduce_sum3A_434 = vector.broadcast %reduce_sum3A_433 : i1 to vector<16xi1>
    %reduce_sum3A_435 = tpu.scan <sum>, %get3A_432 masked %reduce_sum3A_434 : vector<16xi32>, vector<16xi1> -> vector<16xi32>
    %reduce_sum3A_436 = vector.extract %reduce_sum3A_435[15] : i32 from vector<16xi32>
    %eq3A_437 = arith.constant 11 : i32
    %eq3A_438 = vector.broadcast %eq3A_437 : i32 to vector<16xi32>
    %eq3A_439 = arith.cmpi eq, %iota3A, %eq3A_438 : vector<16xi32>
    %broadcast_in_dim3A_440 = vector.broadcast %reduce_sum3A_436 : i32 to vector<16xi32>
    %select_n3A_441 = arith.select %eq3A_439, %broadcast_in_dim3A_440, %select_n3A_430 : vector<16xi1>, vector<16xi32>
    %get3A_442 = arith.constant 448 : index
    %get3A_443 = tpu.vector_load %arg5[%get3A_442] {strides = array<i32>} : memref<1024xi32, #tpu.memory_space<vmem>>, vector<16xi32>,
    %reduce_sum3A_444 = arith.constant true
    %reduce_sum3A_445 = vector.broadcast %reduce_sum3A_444 : i1 to vector<16xi1>
    %reduce_sum3A_446 = tpu.scan <sum>, %get3A_443 masked %reduce_sum3A_445 : vector<16xi32>, vector<16xi1> -> vector<16xi32>
    %reduce_sum3A_447 = vector.extract %reduce_sum3A_446[15] : i32 from vector<16xi32>
    %eq3A_448 = arith.constant 12 : i32
    %eq3A_449 = vector.broadcast %eq3A_448 : i32 to vector<16xi32>
    %eq3A_450 = arith.cmpi eq, %iota3A, %eq3A_449 : vector<16xi32>
    %broadcast_in_dim3A_451 = vector.broadcast %reduce_sum3A_447 : i32 to vector<16xi32>
    %select_n3A_452 = arith.select %eq3A_450, %broadcast_in_dim3A_451, %select_n3A_441 : vector<16xi1>, vector<16xi32>
    %get3A_453 = arith.constant 464 : index
    %get3A_454 = tpu.vector_load %arg5[%get3A_453] {strides = array<i32>} : memref<1024xi32, #tpu.memory_space<vmem>>, vector<16xi32>,
    %reduce_sum3A_455 = arith.constant true
    %reduce_sum3A_456 = vector.broadcast %reduce_sum3A_455 : i1 to vector<16xi1>
    %reduce_sum3A_457 = tpu.scan <sum>, %get3A_454 masked %reduce_sum3A_456 : vector<16xi32>, vector<16xi1> -> vector<16xi32>
    %reduce_sum3A_458 = vector.extract %reduce_sum3A_457[15] : i32 from vector<16xi32>
    %eq3A_459 = arith.constant 13 : i32
    %eq3A_460 = vector.broadcast %eq3A_459 : i32 to vector<16xi32>
    %eq3A_461 = arith.cmpi eq, %iota3A, %eq3A_460 : vector<16xi32>
    %broadcast_in_dim3A_462 = vector.broadcast %reduce_sum3A_458 : i32 to vector<16xi32>
    %select_n3A_463 = arith.select %eq3A_461, %broadcast_in_dim3A_462, %select_n3A_452 : vector<16xi1>, vector<16xi32>
    %get3A_464 = arith.constant 480 : index
    %get3A_465 = tpu.vector_load %arg5[%get3A_464] {strides = array<i32>} : memref<1024xi32, #tpu.memory_space<vmem>>, vector<16xi32>,
    %reduce_sum3A_466 = arith.constant true
    %reduce_sum3A_467 = vector.broadcast %reduce_sum3A_466 : i1 to vector<16xi1>
    %reduce_sum3A_468 = tpu.scan <sum>, %get3A_465 masked %reduce_sum3A_467 : vector<16xi32>, vector<16xi1> -> vector<16xi32>
    %reduce_sum3A_469 = vector.extract %reduce_sum3A_468[15] : i32 from vector<16xi32>
    %eq3A_470 = arith.constant 14 : i32
    %eq3A_471 = vector.broadcast %eq3A_470 : i32 to vector<16xi32>
    %eq3A_472 = arith.cmpi eq, %iota3A, %eq3A_471 : vector<16xi32>
    %broadcast_in_dim3A_473 = vector.broadcast %reduce_sum3A_469 : i32 to vector<16xi32>
    %select_n3A_474 = arith.select %eq3A_472, %broadcast_in_dim3A_473, %select_n3A_463 : vector<16xi1>, vector<16xi32>
    %get3A_475 = arith.constant 496 : index
    %get3A_476 = tpu.vector_load %arg5[%get3A_475] {strides = array<i32>} : memref<1024xi32, #tpu.memory_space<vmem>>, vector<16xi32>,
    %reduce_sum3A_477 = arith.constant true
    %reduce_sum3A_478 = vector.broadcast %reduce_sum3A_477 : i1 to vector<16xi1>
    %reduce_sum3A_479 = tpu.scan <sum>, %get3A_476 masked %reduce_sum3A_478 : vector<16xi32>, vector<16xi1> -> vector<16xi32>
    %reduce_sum3A_480 = vector.extract %reduce_sum3A_479[15] : i32 from vector<16xi32>
    %eq3A_481 = arith.constant 15 : i32
    %eq3A_482 = vector.broadcast %eq3A_481 : i32 to vector<16xi32>
    %eq3A_483 = arith.cmpi eq, %iota3A, %eq3A_482 : vector<16xi32>
    %broadcast_in_dim3A_484 = vector.broadcast %reduce_sum3A_480 : i32 to vector<16xi32>
    %select_n3A_485 = arith.select %eq3A_483, %broadcast_in_dim3A_484, %select_n3A_474 : vector<16xi1>, vector<16xi32>
    %swap3A_486 = arith.constant 16 : index
    %swap3A_487 = tpu.vector_load %arg6[%swap3A_486] {strides = array<i32>} : memref<64xi32, #tpu.memory_space<vmem>>, vector<16xi32>,
    tpu.vector_store %arg6[%swap3A_486], %select_n3A_485 {strides = array<i32>} : memref<64xi32, #tpu.memory_space<vmem>>, vector<16xi32>,
    %get3A_488 = arith.constant 512 : index
    %get3A_489 = tpu.vector_load %arg5[%get3A_488] {strides = array<i32>} : memref<1024xi32, #tpu.memory_space<vmem>>, vector<16xi32>,
    %reduce_sum3A_490 = arith.constant true
    %reduce_sum3A_491 = vector.broadcast %reduce_sum3A_490 : i1 to vector<16xi1>
    %reduce_sum3A_492 = tpu.scan <sum>, %get3A_489 masked %reduce_sum3A_491 : vector<16xi32>, vector<16xi1> -> vector<16xi32>
    %reduce_sum3A_493 = vector.extract %reduce_sum3A_492[15] : i32 from vector<16xi32>
    %eq3A_494 = arith.constant 0 : i32
    %eq3A_495 = vector.broadcast %eq3A_494 : i32 to vector<16xi32>
    %eq3A_496 = arith.cmpi eq, %iota3A, %eq3A_495 : vector<16xi32>
    %broadcast_in_dim3A_497 = vector.broadcast %reduce_sum3A_493 : i32 to vector<16xi32>
    %select_n3A_498 = arith.select %eq3A_496, %broadcast_in_dim3A_497, %broadcast_in_dim3A_1 : vector<16xi1>, vector<16xi32>
    %get3A_499 = arith.constant 528 : index
    %get3A_500 = tpu.vector_load %arg5[%get3A_499] {strides = array<i32>} : memref<1024xi32, #tpu.memory_space<vmem>>, vector<16xi32>,
    %reduce_sum3A_501 = arith.constant true
    %reduce_sum3A_502 = vector.broadcast %reduce_sum3A_501 : i1 to vector<16xi1>
    %reduce_sum3A_503 = tpu.scan <sum>, %get3A_500 masked %reduce_sum3A_502 : vector<16xi32>, vector<16xi1> -> vector<16xi32>
    %reduce_sum3A_504 = vector.extract %reduce_sum3A_503[15] : i32 from vector<16xi32>
    %eq3A_505 = arith.constant 1 : i32
    %eq3A_506 = vector.broadcast %eq3A_505 : i32 to vector<16xi32>
    %eq3A_507 = arith.cmpi eq, %iota3A, %eq3A_506 : vector<16xi32>
    %broadcast_in_dim3A_508 = vector.broadcast %reduce_sum3A_504 : i32 to vector<16xi32>
    %select_n3A_509 = arith.select %eq3A_507, %broadcast_in_dim3A_508, %select_n3A_498 : vector<16xi1>, vector<16xi32>
    %get3A_510 = arith.constant 544 : index
    %get3A_511 = tpu.vector_load %arg5[%get3A_510] {strides = array<i32>} : memref<1024xi32, #tpu.memory_space<vmem>>, vector<16xi32>,
    %reduce_sum3A_512 = arith.constant true
    %reduce_sum3A_513 = vector.broadcast %reduce_sum3A_512 : i1 to vector<16xi1>
    %reduce_sum3A_514 = tpu.scan <sum>, %get3A_511 masked %reduce_sum3A_513 : vector<16xi32>, vector<16xi1> -> vector<16xi32>
    %reduce_sum3A_515 = vector.extract %reduce_sum3A_514[15] : i32 from vector<16xi32>
    %eq3A_516 = arith.constant 2 : i32
    %eq3A_517 = vector.broadcast %eq3A_516 : i32 to vector<16xi32>
    %eq3A_518 = arith.cmpi eq, %iota3A, %eq3A_517 : vector<16xi32>
    %broadcast_in_dim3A_519 = vector.broadcast %reduce_sum3A_515 : i32 to vector<16xi32>
    %select_n3A_520 = arith.select %eq3A_518, %broadcast_in_dim3A_519, %select_n3A_509 : vector<16xi1>, vector<16xi32>
    %get3A_521 = arith.constant 560 : index
    %get3A_522 = tpu.vector_load %arg5[%get3A_521] {strides = array<i32>} : memref<1024xi32, #tpu.memory_space<vmem>>, vector<16xi32>,
    %reduce_sum3A_523 = arith.constant true
    %reduce_sum3A_524 = vector.broadcast %reduce_sum3A_523 : i1 to vector<16xi1>
    %reduce_sum3A_525 = tpu.scan <sum>, %get3A_522 masked %reduce_sum3A_524 : vector<16xi32>, vector<16xi1> -> vector<16xi32>
    %reduce_sum3A_526 = vector.extract %reduce_sum3A_525[15] : i32 from vector<16xi32>
    %eq3A_527 = arith.constant 3 : i32
    %eq3A_528 = vector.broadcast %eq3A_527 : i32 to vector<16xi32>
    %eq3A_529 = arith.cmpi eq, %iota3A, %eq3A_528 : vector<16xi32>
    %broadcast_in_dim3A_530 = vector.broadcast %reduce_sum3A_526 : i32 to vector<16xi32>
    %select_n3A_531 = arith.select %eq3A_529, %broadcast_in_dim3A_530, %select_n3A_520 : vector<16xi1>, vector<16xi32>
    %get3A_532 = arith.constant 576 : index
    %get3A_533 = tpu.vector_load %arg5[%get3A_532] {strides = array<i32>} : memref<1024xi32, #tpu.memory_space<vmem>>, vector<16xi32>,
    %reduce_sum3A_534 = arith.constant true
    %reduce_sum3A_535 = vector.broadcast %reduce_sum3A_534 : i1 to vector<16xi1>
    %reduce_sum3A_536 = tpu.scan <sum>, %get3A_533 masked %reduce_sum3A_535 : vector<16xi32>, vector<16xi1> -> vector<16xi32>
    %reduce_sum3A_537 = vector.extract %reduce_sum3A_536[15] : i32 from vector<16xi32>
    %eq3A_538 = arith.constant 4 : i32
    %eq3A_539 = vector.broadcast %eq3A_538 : i32 to vector<16xi32>
    %eq3A_540 = arith.cmpi eq, %iota3A, %eq3A_539 : vector<16xi32>
    %broadcast_in_dim3A_541 = vector.broadcast %reduce_sum3A_537 : i32 to vector<16xi32>
    %select_n3A_542 = arith.select %eq3A_540, %broadcast_in_dim3A_541, %select_n3A_531 : vector<16xi1>, vector<16xi32>
    %get3A_543 = arith.constant 592 : index
    %get3A_544 = tpu.vector_load %arg5[%get3A_543] {strides = array<i32>} : memref<1024xi32, #tpu.memory_space<vmem>>, vector<16xi32>,
    %reduce_sum3A_545 = arith.constant true
    %reduce_sum3A_546 = vector.broadcast %reduce_sum3A_545 : i1 to vector<16xi1>
    %reduce_sum3A_547 = tpu.scan <sum>, %get3A_544 masked %reduce_sum3A_546 : vector<16xi32>, vector<16xi1> -> vector<16xi32>
    %reduce_sum3A_548 = vector.extract %reduce_sum3A_547[15] : i32 from vector<16xi32>
    %eq3A_549 = arith.constant 5 : i32
    %eq3A_550 = vector.broadcast %eq3A_549 : i32 to vector<16xi32>
    %eq3A_551 = arith.cmpi eq, %iota3A, %eq3A_550 : vector<16xi32>
    %broadcast_in_dim3A_552 = vector.broadcast %reduce_sum3A_548 : i32 to vector<16xi32>
    %select_n3A_553 = arith.select %eq3A_551, %broadcast_in_dim3A_552, %select_n3A_542 : vector<16xi1>, vector<16xi32>
    %get3A_554 = arith.constant 608 : index
    %get3A_555 = tpu.vector_load %arg5[%get3A_554] {strides = array<i32>} : memref<1024xi32, #tpu.memory_space<vmem>>, vector<16xi32>,
    %reduce_sum3A_556 = arith.constant true
    %reduce_sum3A_557 = vector.broadcast %reduce_sum3A_556 : i1 to vector<16xi1>
    %reduce_sum3A_558 = tpu.scan <sum>, %get3A_555 masked %reduce_sum3A_557 : vector<16xi32>, vector<16xi1> -> vector<16xi32>
    %reduce_sum3A_559 = vector.extract %reduce_sum3A_558[15] : i32 from vector<16xi32>
    %eq3A_560 = arith.constant 6 : i32
    %eq3A_561 = vector.broadcast %eq3A_560 : i32 to vector<16xi32>
    %eq3A_562 = arith.cmpi eq, %iota3A, %eq3A_561 : vector<16xi32>
    %broadcast_in_dim3A_563 = vector.broadcast %reduce_sum3A_559 : i32 to vector<16xi32>
    %select_n3A_564 = arith.select %eq3A_562, %broadcast_in_dim3A_563, %select_n3A_553 : vector<16xi1>, vector<16xi32>
    %get3A_565 = arith.constant 624 : index
    %get3A_566 = tpu.vector_load %arg5[%get3A_565] {strides = array<i32>} : memref<1024xi32, #tpu.memory_space<vmem>>, vector<16xi32>,
    %reduce_sum3A_567 = arith.constant true
    %reduce_sum3A_568 = vector.broadcast %reduce_sum3A_567 : i1 to vector<16xi1>
    %reduce_sum3A_569 = tpu.scan <sum>, %get3A_566 masked %reduce_sum3A_568 : vector<16xi32>, vector<16xi1> -> vector<16xi32>
    %reduce_sum3A_570 = vector.extract %reduce_sum3A_569[15] : i32 from vector<16xi32>
    %eq3A_571 = arith.constant 7 : i32
    %eq3A_572 = vector.broadcast %eq3A_571 : i32 to vector<16xi32>
    %eq3A_573 = arith.cmpi eq, %iota3A, %eq3A_572 : vector<16xi32>
    %broadcast_in_dim3A_574 = vector.broadcast %reduce_sum3A_570 : i32 to vector<16xi32>
    %select_n3A_575 = arith.select %eq3A_573, %broadcast_in_dim3A_574, %select_n3A_564 : vector<16xi1>, vector<16xi32>
    %get3A_576 = arith.constant 640 : index
    %get3A_577 = tpu.vector_load %arg5[%get3A_576] {strides = array<i32>} : memref<1024xi32, #tpu.memory_space<vmem>>, vector<16xi32>,
    %reduce_sum3A_578 = arith.constant true
    %reduce_sum3A_579 = vector.broadcast %reduce_sum3A_578 : i1 to vector<16xi1>
    %reduce_sum3A_580 = tpu.scan <sum>, %get3A_577 masked %reduce_sum3A_579 : vector<16xi32>, vector<16xi1> -> vector<16xi32>
    %reduce_sum3A_581 = vector.extract %reduce_sum3A_580[15] : i32 from vector<16xi32>
    %eq3A_582 = arith.constant 8 : i32
    %eq3A_583 = vector.broadcast %eq3A_582 : i32 to vector<16xi32>
    %eq3A_584 = arith.cmpi eq, %iota3A, %eq3A_583 : vector<16xi32>
    %broadcast_in_dim3A_585 = vector.broadcast %reduce_sum3A_581 : i32 to vector<16xi32>
    %select_n3A_586 = arith.select %eq3A_584, %broadcast_in_dim3A_585, %select_n3A_575 : vector<16xi1>, vector<16xi32>
    %get3A_587 = arith.constant 656 : index
    %get3A_588 = tpu.vector_load %arg5[%get3A_587] {strides = array<i32>} : memref<1024xi32, #tpu.memory_space<vmem>>, vector<16xi32>,
    %reduce_sum3A_589 = arith.constant true
    %reduce_sum3A_590 = vector.broadcast %reduce_sum3A_589 : i1 to vector<16xi1>
    %reduce_sum3A_591 = tpu.scan <sum>, %get3A_588 masked %reduce_sum3A_590 : vector<16xi32>, vector<16xi1> -> vector<16xi32>
    %reduce_sum3A_592 = vector.extract %reduce_sum3A_591[15] : i32 from vector<16xi32>
    %eq3A_593 = arith.constant 9 : i32
    %eq3A_594 = vector.broadcast %eq3A_593 : i32 to vector<16xi32>
    %eq3A_595 = arith.cmpi eq, %iota3A, %eq3A_594 : vector<16xi32>
    %broadcast_in_dim3A_596 = vector.broadcast %reduce_sum3A_592 : i32 to vector<16xi32>
    %select_n3A_597 = arith.select %eq3A_595, %broadcast_in_dim3A_596, %select_n3A_586 : vector<16xi1>, vector<16xi32>
    %get3A_598 = arith.constant 672 : index
    %get3A_599 = tpu.vector_load %arg5[%get3A_598] {strides = array<i32>} : memref<1024xi32, #tpu.memory_space<vmem>>, vector<16xi32>,
    %reduce_sum3A_600 = arith.constant true
    %reduce_sum3A_601 = vector.broadcast %reduce_sum3A_600 : i1 to vector<16xi1>
    %reduce_sum3A_602 = tpu.scan <sum>, %get3A_599 masked %reduce_sum3A_601 : vector<16xi32>, vector<16xi1> -> vector<16xi32>
    %reduce_sum3A_603 = vector.extract %reduce_sum3A_602[15] : i32 from vector<16xi32>
    %eq3A_604 = arith.constant 10 : i32
    %eq3A_605 = vector.broadcast %eq3A_604 : i32 to vector<16xi32>
    %eq3A_606 = arith.cmpi eq, %iota3A, %eq3A_605 : vector<16xi32>
    %broadcast_in_dim3A_607 = vector.broadcast %reduce_sum3A_603 : i32 to vector<16xi32>
    %select_n3A_608 = arith.select %eq3A_606, %broadcast_in_dim3A_607, %select_n3A_597 : vector<16xi1>, vector<16xi32>
    %get3A_609 = arith.constant 688 : index
    %get3A_610 = tpu.vector_load %arg5[%get3A_609] {strides = array<i32>} : memref<1024xi32, #tpu.memory_space<vmem>>, vector<16xi32>,
    %reduce_sum3A_611 = arith.constant true
    %reduce_sum3A_612 = vector.broadcast %reduce_sum3A_611 : i1 to vector<16xi1>
    %reduce_sum3A_613 = tpu.scan <sum>, %get3A_610 masked %reduce_sum3A_612 : vector<16xi32>, vector<16xi1> -> vector<16xi32>
    %reduce_sum3A_614 = vector.extract %reduce_sum3A_613[15] : i32 from vector<16xi32>
    %eq3A_615 = arith.constant 11 : i32
    %eq3A_616 = vector.broadcast %eq3A_615 : i32 to vector<16xi32>
    %eq3A_617 = arith.cmpi eq, %iota3A, %eq3A_616 : vector<16xi32>
    %broadcast_in_dim3A_618 = vector.broadcast %reduce_sum3A_614 : i32 to vector<16xi32>
    %select_n3A_619 = arith.select %eq3A_617, %broadcast_in_dim3A_618, %select_n3A_608 : vector<16xi1>, vector<16xi32>
    %get3A_620 = arith.constant 704 : index
    %get3A_621 = tpu.vector_load %arg5[%get3A_620] {strides = array<i32>} : memref<1024xi32, #tpu.memory_space<vmem>>, vector<16xi32>,
    %reduce_sum3A_622 = arith.constant true
    %reduce_sum3A_623 = vector.broadcast %reduce_sum3A_622 : i1 to vector<16xi1>
    %reduce_sum3A_624 = tpu.scan <sum>, %get3A_621 masked %reduce_sum3A_623 : vector<16xi32>, vector<16xi1> -> vector<16xi32>
    %reduce_sum3A_625 = vector.extract %reduce_sum3A_624[15] : i32 from vector<16xi32>
    %eq3A_626 = arith.constant 12 : i32
    %eq3A_627 = vector.broadcast %eq3A_626 : i32 to vector<16xi32>
    %eq3A_628 = arith.cmpi eq, %iota3A, %eq3A_627 : vector<16xi32>
    %broadcast_in_dim3A_629 = vector.broadcast %reduce_sum3A_625 : i32 to vector<16xi32>
    %select_n3A_630 = arith.select %eq3A_628, %broadcast_in_dim3A_629, %select_n3A_619 : vector<16xi1>, vector<16xi32>
    %get3A_631 = arith.constant 720 : index
    %get3A_632 = tpu.vector_load %arg5[%get3A_631] {strides = array<i32>} : memref<1024xi32, #tpu.memory_space<vmem>>, vector<16xi32>,
    %reduce_sum3A_633 = arith.constant true
    %reduce_sum3A_634 = vector.broadcast %reduce_sum3A_633 : i1 to vector<16xi1>
    %reduce_sum3A_635 = tpu.scan <sum>, %get3A_632 masked %reduce_sum3A_634 : vector<16xi32>, vector<16xi1> -> vector<16xi32>
    %reduce_sum3A_636 = vector.extract %reduce_sum3A_635[15] : i32 from vector<16xi32>
    %eq3A_637 = arith.constant 13 : i32
    %eq3A_638 = vector.broadcast %eq3A_637 : i32 to vector<16xi32>
    %eq3A_639 = arith.cmpi eq, %iota3A, %eq3A_638 : vector<16xi32>
    %broadcast_in_dim3A_640 = vector.broadcast %reduce_sum3A_636 : i32 to vector<16xi32>
    %select_n3A_641 = arith.select %eq3A_639, %broadcast_in_dim3A_640, %select_n3A_630 : vector<16xi1>, vector<16xi32>
    %get3A_642 = arith.constant 736 : index
    %get3A_643 = tpu.vector_load %arg5[%get3A_642] {strides = array<i32>} : memref<1024xi32, #tpu.memory_space<vmem>>, vector<16xi32>,
    %reduce_sum3A_644 = arith.constant true
    %reduce_sum3A_645 = vector.broadcast %reduce_sum3A_644 : i1 to vector<16xi1>
    %reduce_sum3A_646 = tpu.scan <sum>, %get3A_643 masked %reduce_sum3A_645 : vector<16xi32>, vector<16xi1> -> vector<16xi32>
    %reduce_sum3A_647 = vector.extract %reduce_sum3A_646[15] : i32 from vector<16xi32>
    %eq3A_648 = arith.constant 14 : i32
    %eq3A_649 = vector.broadcast %eq3A_648 : i32 to vector<16xi32>
    %eq3A_650 = arith.cmpi eq, %iota3A, %eq3A_649 : vector<16xi32>
    %broadcast_in_dim3A_651 = vector.broadcast %reduce_sum3A_647 : i32 to vector<16xi32>
    %select_n3A_652 = arith.select %eq3A_650, %broadcast_in_dim3A_651, %select_n3A_641 : vector<16xi1>, vector<16xi32>
    %get3A_653 = arith.constant 752 : index
    %get3A_654 = tpu.vector_load %arg5[%get3A_653] {strides = array<i32>} : memref<1024xi32, #tpu.memory_space<vmem>>, vector<16xi32>,
    %reduce_sum3A_655 = arith.constant true
    %reduce_sum3A_656 = vector.broadcast %reduce_sum3A_655 : i1 to vector<16xi1>
    %reduce_sum3A_657 = tpu.scan <sum>, %get3A_654 masked %reduce_sum3A_656 : vector<16xi32>, vector<16xi1> -> vector<16xi32>
    %reduce_sum3A_658 = vector.extract %reduce_sum3A_657[15] : i32 from vector<16xi32>
    %eq3A_659 = arith.constant 15 : i32
    %eq3A_660 = vector.broadcast %eq3A_659 : i32 to vector<16xi32>
    %eq3A_661 = arith.cmpi eq, %iota3A, %eq3A_660 : vector<16xi32>
    %broadcast_in_dim3A_662 = vector.broadcast %reduce_sum3A_658 : i32 to vector<16xi32>
    %select_n3A_663 = arith.select %eq3A_661, %broadcast_in_dim3A_662, %select_n3A_652 : vector<16xi1>, vector<16xi32>
    %swap3A_664 = arith.constant 32 : index
    %swap3A_665 = tpu.vector_load %arg6[%swap3A_664] {strides = array<i32>} : memref<64xi32, #tpu.memory_space<vmem>>, vector<16xi32>,
    tpu.vector_store %arg6[%swap3A_664], %select_n3A_663 {strides = array<i32>} : memref<64xi32, #tpu.memory_space<vmem>>, vector<16xi32>,
    %get3A_666 = arith.constant 768 : index
    %get3A_667 = tpu.vector_load %arg5[%get3A_666] {strides = array<i32>} : memref<1024xi32, #tpu.memory_space<vmem>>, vector<16xi32>,
    %reduce_sum3A_668 = arith.constant true
    %reduce_sum3A_669 = vector.broadcast %reduce_sum3A_668 : i1 to vector<16xi1>
    %reduce_sum3A_670 = tpu.scan <sum>, %get3A_667 masked %reduce_sum3A_669 : vector<16xi32>, vector<16xi1> -> vector<16xi32>
    %reduce_sum3A_671 = vector.extract %reduce_sum3A_670[15] : i32 from vector<16xi32>
    %eq3A_672 = arith.constant 0 : i32
    %eq3A_673 = vector.broadcast %eq3A_672 : i32 to vector<16xi32>
    %eq3A_674 = arith.cmpi eq, %iota3A, %eq3A_673 : vector<16xi32>
    %broadcast_in_dim3A_675 = vector.broadcast %reduce_sum3A_671 : i32 to vector<16xi32>
    %select_n3A_676 = arith.select %eq3A_674, %broadcast_in_dim3A_675, %broadcast_in_dim3A_1 : vector<16xi1>, vector<16xi32>
    %get3A_677 = arith.constant 784 : index
    %get3A_678 = tpu.vector_load %arg5[%get3A_677] {strides = array<i32>} : memref<1024xi32, #tpu.memory_space<vmem>>, vector<16xi32>,
    %reduce_sum3A_679 = arith.constant true
    %reduce_sum3A_680 = vector.broadcast %reduce_sum3A_679 : i1 to vector<16xi1>
    %reduce_sum3A_681 = tpu.scan <sum>, %get3A_678 masked %reduce_sum3A_680 : vector<16xi32>, vector<16xi1> -> vector<16xi32>
    %reduce_sum3A_682 = vector.extract %reduce_sum3A_681[15] : i32 from vector<16xi32>
    %eq3A_683 = arith.constant 1 : i32
    %eq3A_684 = vector.broadcast %eq3A_683 : i32 to vector<16xi32>
    %eq3A_685 = arith.cmpi eq, %iota3A, %eq3A_684 : vector<16xi32>
    %broadcast_in_dim3A_686 = vector.broadcast %reduce_sum3A_682 : i32 to vector<16xi32>
    %select_n3A_687 = arith.select %eq3A_685, %broadcast_in_dim3A_686, %select_n3A_676 : vector<16xi1>, vector<16xi32>
    %get3A_688 = arith.constant 800 : index
    %get3A_689 = tpu.vector_load %arg5[%get3A_688] {strides = array<i32>} : memref<1024xi32, #tpu.memory_space<vmem>>, vector<16xi32>,
    %reduce_sum3A_690 = arith.constant true
    %reduce_sum3A_691 = vector.broadcast %reduce_sum3A_690 : i1 to vector<16xi1>
    %reduce_sum3A_692 = tpu.scan <sum>, %get3A_689 masked %reduce_sum3A_691 : vector<16xi32>, vector<16xi1> -> vector<16xi32>
    %reduce_sum3A_693 = vector.extract %reduce_sum3A_692[15] : i32 from vector<16xi32>
    %eq3A_694 = arith.constant 2 : i32
    %eq3A_695 = vector.broadcast %eq3A_694 : i32 to vector<16xi32>
    %eq3A_696 = arith.cmpi eq, %iota3A, %eq3A_695 : vector<16xi32>
    %broadcast_in_dim3A_697 = vector.broadcast %reduce_sum3A_693 : i32 to vector<16xi32>
    %select_n3A_698 = arith.select %eq3A_696, %broadcast_in_dim3A_697, %select_n3A_687 : vector<16xi1>, vector<16xi32>
    %get3A_699 = arith.constant 816 : index
    %get3A_700 = tpu.vector_load %arg5[%get3A_699] {strides = array<i32>} : memref<1024xi32, #tpu.memory_space<vmem>>, vector<16xi32>,
    %reduce_sum3A_701 = arith.constant true
    %reduce_sum3A_702 = vector.broadcast %reduce_sum3A_701 : i1 to vector<16xi1>
    %reduce_sum3A_703 = tpu.scan <sum>, %get3A_700 masked %reduce_sum3A_702 : vector<16xi32>, vector<16xi1> -> vector<16xi32>
    %reduce_sum3A_704 = vector.extract %reduce_sum3A_703[15] : i32 from vector<16xi32>
    %eq3A_705 = arith.constant 3 : i32
    %eq3A_706 = vector.broadcast %eq3A_705 : i32 to vector<16xi32>
    %eq3A_707 = arith.cmpi eq, %iota3A, %eq3A_706 : vector<16xi32>
    %broadcast_in_dim3A_708 = vector.broadcast %reduce_sum3A_704 : i32 to vector<16xi32>
    %select_n3A_709 = arith.select %eq3A_707, %broadcast_in_dim3A_708, %select_n3A_698 : vector<16xi1>, vector<16xi32>
    %get3A_710 = arith.constant 832 : index
    %get3A_711 = tpu.vector_load %arg5[%get3A_710] {strides = array<i32>} : memref<1024xi32, #tpu.memory_space<vmem>>, vector<16xi32>,
    %reduce_sum3A_712 = arith.constant true
    %reduce_sum3A_713 = vector.broadcast %reduce_sum3A_712 : i1 to vector<16xi1>
    %reduce_sum3A_714 = tpu.scan <sum>, %get3A_711 masked %reduce_sum3A_713 : vector<16xi32>, vector<16xi1> -> vector<16xi32>
    %reduce_sum3A_715 = vector.extract %reduce_sum3A_714[15] : i32 from vector<16xi32>
    %eq3A_716 = arith.constant 4 : i32
    %eq3A_717 = vector.broadcast %eq3A_716 : i32 to vector<16xi32>
    %eq3A_718 = arith.cmpi eq, %iota3A, %eq3A_717 : vector<16xi32>
    %broadcast_in_dim3A_719 = vector.broadcast %reduce_sum3A_715 : i32 to vector<16xi32>
    %select_n3A_720 = arith.select %eq3A_718, %broadcast_in_dim3A_719, %select_n3A_709 : vector<16xi1>, vector<16xi32>
    %get3A_721 = arith.constant 848 : index
    %get3A_722 = tpu.vector_load %arg5[%get3A_721] {strides = array<i32>} : memref<1024xi32, #tpu.memory_space<vmem>>, vector<16xi32>,
    %reduce_sum3A_723 = arith.constant true
    %reduce_sum3A_724 = vector.broadcast %reduce_sum3A_723 : i1 to vector<16xi1>
    %reduce_sum3A_725 = tpu.scan <sum>, %get3A_722 masked %reduce_sum3A_724 : vector<16xi32>, vector<16xi1> -> vector<16xi32>
    %reduce_sum3A_726 = vector.extract %reduce_sum3A_725[15] : i32 from vector<16xi32>
    %eq3A_727 = arith.constant 5 : i32
    %eq3A_728 = vector.broadcast %eq3A_727 : i32 to vector<16xi32>
    %eq3A_729 = arith.cmpi eq, %iota3A, %eq3A_728 : vector<16xi32>
    %broadcast_in_dim3A_730 = vector.broadcast %reduce_sum3A_726 : i32 to vector<16xi32>
    %select_n3A_731 = arith.select %eq3A_729, %broadcast_in_dim3A_730, %select_n3A_720 : vector<16xi1>, vector<16xi32>
    %get3A_732 = arith.constant 864 : index
    %get3A_733 = tpu.vector_load %arg5[%get3A_732] {strides = array<i32>} : memref<1024xi32, #tpu.memory_space<vmem>>, vector<16xi32>,
    %reduce_sum3A_734 = arith.constant true
    %reduce_sum3A_735 = vector.broadcast %reduce_sum3A_734 : i1 to vector<16xi1>
    %reduce_sum3A_736 = tpu.scan <sum>, %get3A_733 masked %reduce_sum3A_735 : vector<16xi32>, vector<16xi1> -> vector<16xi32>
    %reduce_sum3A_737 = vector.extract %reduce_sum3A_736[15] : i32 from vector<16xi32>
    %eq3A_738 = arith.constant 6 : i32
    %eq3A_739 = vector.broadcast %eq3A_738 : i32 to vector<16xi32>
    %eq3A_740 = arith.cmpi eq, %iota3A, %eq3A_739 : vector<16xi32>
    %broadcast_in_dim3A_741 = vector.broadcast %reduce_sum3A_737 : i32 to vector<16xi32>
    %select_n3A_742 = arith.select %eq3A_740, %broadcast_in_dim3A_741, %select_n3A_731 : vector<16xi1>, vector<16xi32>
    %get3A_743 = arith.constant 880 : index
    %get3A_744 = tpu.vector_load %arg5[%get3A_743] {strides = array<i32>} : memref<1024xi32, #tpu.memory_space<vmem>>, vector<16xi32>,
    %reduce_sum3A_745 = arith.constant true
    %reduce_sum3A_746 = vector.broadcast %reduce_sum3A_745 : i1 to vector<16xi1>
    %reduce_sum3A_747 = tpu.scan <sum>, %get3A_744 masked %reduce_sum3A_746 : vector<16xi32>, vector<16xi1> -> vector<16xi32>
    %reduce_sum3A_748 = vector.extract %reduce_sum3A_747[15] : i32 from vector<16xi32>
    %eq3A_749 = arith.constant 7 : i32
    %eq3A_750 = vector.broadcast %eq3A_749 : i32 to vector<16xi32>
    %eq3A_751 = arith.cmpi eq, %iota3A, %eq3A_750 : vector<16xi32>
    %broadcast_in_dim3A_752 = vector.broadcast %reduce_sum3A_748 : i32 to vector<16xi32>
    %select_n3A_753 = arith.select %eq3A_751, %broadcast_in_dim3A_752, %select_n3A_742 : vector<16xi1>, vector<16xi32>
    %get3A_754 = arith.constant 896 : index
    %get3A_755 = tpu.vector_load %arg5[%get3A_754] {strides = array<i32>} : memref<1024xi32, #tpu.memory_space<vmem>>, vector<16xi32>,
    %reduce_sum3A_756 = arith.constant true
    %reduce_sum3A_757 = vector.broadcast %reduce_sum3A_756 : i1 to vector<16xi1>
    %reduce_sum3A_758 = tpu.scan <sum>, %get3A_755 masked %reduce_sum3A_757 : vector<16xi32>, vector<16xi1> -> vector<16xi32>
    %reduce_sum3A_759 = vector.extract %reduce_sum3A_758[15] : i32 from vector<16xi32>
    %eq3A_760 = arith.constant 8 : i32
    %eq3A_761 = vector.broadcast %eq3A_760 : i32 to vector<16xi32>
    %eq3A_762 = arith.cmpi eq, %iota3A, %eq3A_761 : vector<16xi32>
    %broadcast_in_dim3A_763 = vector.broadcast %reduce_sum3A_759 : i32 to vector<16xi32>
    %select_n3A_764 = arith.select %eq3A_762, %broadcast_in_dim3A_763, %select_n3A_753 : vector<16xi1>, vector<16xi32>
    %get3A_765 = arith.constant 912 : index
    %get3A_766 = tpu.vector_load %arg5[%get3A_765] {strides = array<i32>} : memref<1024xi32, #tpu.memory_space<vmem>>, vector<16xi32>,
    %reduce_sum3A_767 = arith.constant true
    %reduce_sum3A_768 = vector.broadcast %reduce_sum3A_767 : i1 to vector<16xi1>
    %reduce_sum3A_769 = tpu.scan <sum>, %get3A_766 masked %reduce_sum3A_768 : vector<16xi32>, vector<16xi1> -> vector<16xi32>
    %reduce_sum3A_770 = vector.extract %reduce_sum3A_769[15] : i32 from vector<16xi32>
    %eq3A_771 = arith.constant 9 : i32
    %eq3A_772 = vector.broadcast %eq3A_771 : i32 to vector<16xi32>
    %eq3A_773 = arith.cmpi eq, %iota3A, %eq3A_772 : vector<16xi32>
    %broadcast_in_dim3A_774 = vector.broadcast %reduce_sum3A_770 : i32 to vector<16xi32>
    %select_n3A_775 = arith.select %eq3A_773, %broadcast_in_dim3A_774, %select_n3A_764 : vector<16xi1>, vector<16xi32>
    %get3A_776 = arith.constant 928 : index
    %get3A_777 = tpu.vector_load %arg5[%get3A_776] {strides = array<i32>} : memref<1024xi32, #tpu.memory_space<vmem>>, vector<16xi32>,
    %reduce_sum3A_778 = arith.constant true
    %reduce_sum3A_779 = vector.broadcast %reduce_sum3A_778 : i1 to vector<16xi1>
    %reduce_sum3A_780 = tpu.scan <sum>, %get3A_777 masked %reduce_sum3A_779 : vector<16xi32>, vector<16xi1> -> vector<16xi32>
    %reduce_sum3A_781 = vector.extract %reduce_sum3A_780[15] : i32 from vector<16xi32>
    %eq3A_782 = arith.constant 10 : i32
    %eq3A_783 = vector.broadcast %eq3A_782 : i32 to vector<16xi32>
    %eq3A_784 = arith.cmpi eq, %iota3A, %eq3A_783 : vector<16xi32>
    %broadcast_in_dim3A_785 = vector.broadcast %reduce_sum3A_781 : i32 to vector<16xi32>
    %select_n3A_786 = arith.select %eq3A_784, %broadcast_in_dim3A_785, %select_n3A_775 : vector<16xi1>, vector<16xi32>
    %get3A_787 = arith.constant 944 : index
    %get3A_788 = tpu.vector_load %arg5[%get3A_787] {strides = array<i32>} : memref<1024xi32, #tpu.memory_space<vmem>>, vector<16xi32>,
    %reduce_sum3A_789 = arith.constant true
    %reduce_sum3A_790 = vector.broadcast %reduce_sum3A_789 : i1 to vector<16xi1>
    %reduce_sum3A_791 = tpu.scan <sum>, %get3A_788 masked %reduce_sum3A_790 : vector<16xi32>, vector<16xi1> -> vector<16xi32>
    %reduce_sum3A_792 = vector.extract %reduce_sum3A_791[15] : i32 from vector<16xi32>
    %eq3A_793 = arith.constant 11 : i32
    %eq3A_794 = vector.broadcast %eq3A_793 : i32 to vector<16xi32>
    %eq3A_795 = arith.cmpi eq, %iota3A, %eq3A_794 : vector<16xi32>
    %broadcast_in_dim3A_796 = vector.broadcast %reduce_sum3A_792 : i32 to vector<16xi32>
    %select_n3A_797 = arith.select %eq3A_795, %broadcast_in_dim3A_796, %select_n3A_786 : vector<16xi1>, vector<16xi32>
    %get3A_798 = arith.constant 960 : index
    %get3A_799 = tpu.vector_load %arg5[%get3A_798] {strides = array<i32>} : memref<1024xi32, #tpu.memory_space<vmem>>, vector<16xi32>,
    %reduce_sum3A_800 = arith.constant true
    %reduce_sum3A_801 = vector.broadcast %reduce_sum3A_800 : i1 to vector<16xi1>
    %reduce_sum3A_802 = tpu.scan <sum>, %get3A_799 masked %reduce_sum3A_801 : vector<16xi32>, vector<16xi1> -> vector<16xi32>
    %reduce_sum3A_803 = vector.extract %reduce_sum3A_802[15] : i32 from vector<16xi32>
    %eq3A_804 = arith.constant 12 : i32
    %eq3A_805 = vector.broadcast %eq3A_804 : i32 to vector<16xi32>
    %eq3A_806 = arith.cmpi eq, %iota3A, %eq3A_805 : vector<16xi32>
    %broadcast_in_dim3A_807 = vector.broadcast %reduce_sum3A_803 : i32 to vector<16xi32>
    %select_n3A_808 = arith.select %eq3A_806, %broadcast_in_dim3A_807, %select_n3A_797 : vector<16xi1>, vector<16xi32>
    %get3A_809 = arith.constant 976 : index
    %get3A_810 = tpu.vector_load %arg5[%get3A_809] {strides = array<i32>} : memref<1024xi32, #tpu.memory_space<vmem>>, vector<16xi32>,
    %reduce_sum3A_811 = arith.constant true
    %reduce_sum3A_812 = vector.broadcast %reduce_sum3A_811 : i1 to vector<16xi1>
    %reduce_sum3A_813 = tpu.scan <sum>, %get3A_810 masked %reduce_sum3A_812 : vector<16xi32>, vector<16xi1> -> vector<16xi32>
    %reduce_sum3A_814 = vector.extract %reduce_sum3A_813[15] : i32 from vector<16xi32>
    %eq3A_815 = arith.constant 13 : i32
    %eq3A_816 = vector.broadcast %eq3A_815 : i32 to vector<16xi32>
    %eq3A_817 = arith.cmpi eq, %iota3A, %eq3A_816 : vector<16xi32>
    %broadcast_in_dim3A_818 = vector.broadcast %reduce_sum3A_814 : i32 to vector<16xi32>
    %select_n3A_819 = arith.select %eq3A_817, %broadcast_in_dim3A_818, %select_n3A_808 : vector<16xi1>, vector<16xi32>
    %get3A_820 = arith.constant 992 : index
    %get3A_821 = tpu.vector_load %arg5[%get3A_820] {strides = array<i32>} : memref<1024xi32, #tpu.memory_space<vmem>>, vector<16xi32>,
    %reduce_sum3A_822 = arith.constant true
    %reduce_sum3A_823 = vector.broadcast %reduce_sum3A_822 : i1 to vector<16xi1>
    %reduce_sum3A_824 = tpu.scan <sum>, %get3A_821 masked %reduce_sum3A_823 : vector<16xi32>, vector<16xi1> -> vector<16xi32>
    %reduce_sum3A_825 = vector.extract %reduce_sum3A_824[15] : i32 from vector<16xi32>
    %eq3A_826 = arith.constant 14 : i32
    %eq3A_827 = vector.broadcast %eq3A_826 : i32 to vector<16xi32>
    %eq3A_828 = arith.cmpi eq, %iota3A, %eq3A_827 : vector<16xi32>
    %broadcast_in_dim3A_829 = vector.broadcast %reduce_sum3A_825 : i32 to vector<16xi32>
    %select_n3A_830 = arith.select %eq3A_828, %broadcast_in_dim3A_829, %select_n3A_819 : vector<16xi1>, vector<16xi32>
    %get3A_831 = arith.constant 1008 : index
    %get3A_832 = tpu.vector_load %arg5[%get3A_831] {strides = array<i32>} : memref<1024xi32, #tpu.memory_space<vmem>>, vector<16xi32>,
    %reduce_sum3A_833 = arith.constant true
    %reduce_sum3A_834 = vector.broadcast %reduce_sum3A_833 : i1 to vector<16xi1>
    %reduce_sum3A_835 = tpu.scan <sum>, %get3A_832 masked %reduce_sum3A_834 : vector<16xi32>, vector<16xi1> -> vector<16xi32>
    %reduce_sum3A_836 = vector.extract %reduce_sum3A_835[15] : i32 from vector<16xi32>
    %eq3A_837 = arith.constant 15 : i32
    %eq3A_838 = vector.broadcast %eq3A_837 : i32 to vector<16xi32>
    %eq3A_839 = arith.cmpi eq, %iota3A, %eq3A_838 : vector<16xi32>
    %broadcast_in_dim3A_840 = vector.broadcast %reduce_sum3A_836 : i32 to vector<16xi32>
    %select_n3A_841 = arith.select %eq3A_839, %broadcast_in_dim3A_840, %select_n3A_830 : vector<16xi1>, vector<16xi32>
    %swap3A_842 = arith.constant 48 : index
    %swap3A_843 = tpu.vector_load %arg6[%swap3A_842] {strides = array<i32>} : memref<64xi32, #tpu.memory_space<vmem>>, vector<16xi32>,
    tpu.vector_store %arg6[%swap3A_842], %select_n3A_841 {strides = array<i32>} : memref<64xi32, #tpu.memory_space<vmem>>, vector<16xi32>,
    %mul3A_844 = arith.constant 64 : i32
    %mul3A_845 = arith.muli %arg1, %mul3A_844 : i32
    "tpu.region"() ({
      %run_scoped3A = tpu.sem_alloc : memref<!tpu.dma_semaphore, #tpu.memory_space<semaphore_mem>>
      %dma_start3A = tpu.memref_slice %arg8[%mul3A_845] : memref<1024xi32, #tpu.memory_space<vmem_shared>> -> memref<64xi32, #tpu.memory_space<vmem_shared>>
      %dma_start3A_849 = tpu.memref_slice %arg8[%mul3A_845] : memref<1024xi32, #tpu.memory_space<vmem_shared>> -> memref<64xi32, #tpu.memory_space<vmem_shared>>
      tpu.enqueue_dma source(%arg6 : memref<64xi32, #tpu.memory_space<vmem>>) target(%dma_start3A_849 : memref<64xi32, #tpu.memory_space<vmem_shared>>) target_semaphore(%run_scoped3A : memref<!tpu.dma_semaphore, #tpu.memory_space<semaphore_mem>>)
      %dma_wait3A = tpu.memref_slice %arg8[%mul3A_845] : memref<1024xi32, #tpu.memory_space<vmem_shared>> -> memref<64xi32, #tpu.memory_space<vmem_shared>>
      %dma_wait3A_850 = tpu.memref_slice %arg8[%mul3A_845] : memref<1024xi32, #tpu.memory_space<vmem_shared>> -> memref<64xi32, #tpu.memory_space<vmem_shared>>
      tpu.wait_dma2 semaphore(%run_scoped3A : memref<!tpu.dma_semaphore, #tpu.memory_space<semaphore_mem>>) src(%arg6 : memref<64xi32, #tpu.memory_space<vmem>>) dst(%dma_wait3A_850 : memref<64xi32, #tpu.memory_space<vmem_shared>>)
      tpu.yield
    }) : () -> ()
    %barrier3A = arith.constant 0 : index
    tpu.barrier barrier_id(%barrier3A)
    %eq3A_846 = arith.constant 0 : i32
    %eq3A_847 = arith.cmpi eq, %arg1, %eq3A_846 : i32
    %convert_element_type3A = arith.extui %eq3A_847 : i1 to i32
    %cond3A = arith.constant 0 : i32
    %cond3A_848 = arith.cmpi ne, %convert_element_type3A, %cond3A : i32
    scf.if %cond3A_848 {
      "tpu.region"() ({
        %run_scoped3A = tpu.sem_alloc : memref<!tpu.dma_semaphore, #tpu.memory_space<semaphore_mem>>
        tpu.enqueue_dma source(%arg8 : memref<1024xi32, #tpu.memory_space<vmem_shared>>) target(%arg7 : memref<1024xi32, #tpu.memory_space<vmem>>) target_semaphore(%run_scoped3A : memref<!tpu.dma_semaphore, #tpu.memory_space<semaphore_mem>>)
        tpu.wait_dma2 semaphore(%run_scoped3A : memref<!tpu.dma_semaphore, #tpu.memory_space<semaphore_mem>>) src(%arg8 : memref<1024xi32, #tpu.memory_space<vmem_shared>>) dst(%arg7 : memref<1024xi32, #tpu.memory_space<vmem>>)
        tpu.yield
      }) : () -> ()
      %get3A_849 = arith.constant 0 : index
      %get3A_850 = tpu.vector_load %arg7[%get3A_849] {strides = array<i32>} : memref<1024xi32, #tpu.memory_space<vmem>>, vector<16xi32>,
      %add3A = arith.addi %broadcast_in_dim3A_1, %get3A_850 : vector<16xi32>
      %get3A_851 = arith.constant 64 : index
      %get3A_852 = tpu.vector_load %arg7[%get3A_851] {strides = array<i32>} : memref<1024xi32, #tpu.memory_space<vmem>>, vector<16xi32>,
      %add3A_853 = arith.addi %add3A, %get3A_852 : vector<16xi32>
      %get3A_854 = arith.constant 128 : index
      %get3A_855 = tpu.vector_load %arg7[%get3A_854] {strides = array<i32>} : memref<1024xi32, #tpu.memory_space<vmem>>, vector<16xi32>,
      %add3A_856 = arith.addi %add3A_853, %get3A_855 : vector<16xi32>
      %get3A_857 = arith.constant 192 : index
      %get3A_858 = tpu.vector_load %arg7[%get3A_857] {strides = array<i32>} : memref<1024xi32, #tpu.memory_space<vmem>>, vector<16xi32>,
      %add3A_859 = arith.addi %add3A_856, %get3A_858 : vector<16xi32>
      %get3A_860 = arith.constant 256 : index
      %get3A_861 = tpu.vector_load %arg7[%get3A_860] {strides = array<i32>} : memref<1024xi32, #tpu.memory_space<vmem>>, vector<16xi32>,
      %add3A_862 = arith.addi %add3A_859, %get3A_861 : vector<16xi32>
      %get3A_863 = arith.constant 320 : index
      %get3A_864 = tpu.vector_load %arg7[%get3A_863] {strides = array<i32>} : memref<1024xi32, #tpu.memory_space<vmem>>, vector<16xi32>,
      %add3A_865 = arith.addi %add3A_862, %get3A_864 : vector<16xi32>
      %get3A_866 = arith.constant 384 : index
      %get3A_867 = tpu.vector_load %arg7[%get3A_866] {strides = array<i32>} : memref<1024xi32, #tpu.memory_space<vmem>>, vector<16xi32>,
      %add3A_868 = arith.addi %add3A_865, %get3A_867 : vector<16xi32>
      %get3A_869 = arith.constant 448 : index
      %get3A_870 = tpu.vector_load %arg7[%get3A_869] {strides = array<i32>} : memref<1024xi32, #tpu.memory_space<vmem>>, vector<16xi32>,
      %add3A_871 = arith.addi %add3A_868, %get3A_870 : vector<16xi32>
      %get3A_872 = arith.constant 512 : index
      %get3A_873 = tpu.vector_load %arg7[%get3A_872] {strides = array<i32>} : memref<1024xi32, #tpu.memory_space<vmem>>, vector<16xi32>,
      %add3A_874 = arith.addi %add3A_871, %get3A_873 : vector<16xi32>
      %get3A_875 = arith.constant 576 : index
      %get3A_876 = tpu.vector_load %arg7[%get3A_875] {strides = array<i32>} : memref<1024xi32, #tpu.memory_space<vmem>>, vector<16xi32>,
      %add3A_877 = arith.addi %add3A_874, %get3A_876 : vector<16xi32>
      %get3A_878 = arith.constant 640 : index
      %get3A_879 = tpu.vector_load %arg7[%get3A_878] {strides = array<i32>} : memref<1024xi32, #tpu.memory_space<vmem>>, vector<16xi32>,
      %add3A_880 = arith.addi %add3A_877, %get3A_879 : vector<16xi32>
      %get3A_881 = arith.constant 704 : index
      %get3A_882 = tpu.vector_load %arg7[%get3A_881] {strides = array<i32>} : memref<1024xi32, #tpu.memory_space<vmem>>, vector<16xi32>,
      %add3A_883 = arith.addi %add3A_880, %get3A_882 : vector<16xi32>
      %get3A_884 = arith.constant 768 : index
      %get3A_885 = tpu.vector_load %arg7[%get3A_884] {strides = array<i32>} : memref<1024xi32, #tpu.memory_space<vmem>>, vector<16xi32>,
      %add3A_886 = arith.addi %add3A_883, %get3A_885 : vector<16xi32>
      %get3A_887 = arith.constant 832 : index
      %get3A_888 = tpu.vector_load %arg7[%get3A_887] {strides = array<i32>} : memref<1024xi32, #tpu.memory_space<vmem>>, vector<16xi32>,
      %add3A_889 = arith.addi %add3A_886, %get3A_888 : vector<16xi32>
      %get3A_890 = arith.constant 896 : index
      %get3A_891 = tpu.vector_load %arg7[%get3A_890] {strides = array<i32>} : memref<1024xi32, #tpu.memory_space<vmem>>, vector<16xi32>,
      %add3A_892 = arith.addi %add3A_889, %get3A_891 : vector<16xi32>
      %get3A_893 = arith.constant 960 : index
      %get3A_894 = tpu.vector_load %arg7[%get3A_893] {strides = array<i32>} : memref<1024xi32, #tpu.memory_space<vmem>>, vector<16xi32>,
      %add3A_895 = arith.addi %add3A_892, %get3A_894 : vector<16xi32>
      %swap3A_896 = arith.constant 0 : index
      %swap3A_897 = tpu.vector_load %arg6[%swap3A_896] {strides = array<i32>} : memref<64xi32, #tpu.memory_space<vmem>>, vector<16xi32>,
      tpu.vector_store %arg6[%swap3A_896], %add3A_895 {strides = array<i32>} : memref<64xi32, #tpu.memory_space<vmem>>, vector<16xi32>,
      %get3A_898 = arith.constant 16 : index
      %get3A_899 = tpu.vector_load %arg7[%get3A_898] {strides = array<i32>} : memref<1024xi32, #tpu.memory_space<vmem>>, vector<16xi32>,
      %add3A_900 = arith.addi %broadcast_in_dim3A_1, %get3A_899 : vector<16xi32>
      %get3A_901 = arith.constant 80 : index
      %get3A_902 = tpu.vector_load %arg7[%get3A_901] {strides = array<i32>} : memref<1024xi32, #tpu.memory_space<vmem>>, vector<16xi32>,
      %add3A_903 = arith.addi %add3A_900, %get3A_902 : vector<16xi32>
      %get3A_904 = arith.constant 144 : index
      %get3A_905 = tpu.vector_load %arg7[%get3A_904] {strides = array<i32>} : memref<1024xi32, #tpu.memory_space<vmem>>, vector<16xi32>,
      %add3A_906 = arith.addi %add3A_903, %get3A_905 : vector<16xi32>
      %get3A_907 = arith.constant 208 : index
      %get3A_908 = tpu.vector_load %arg7[%get3A_907] {strides = array<i32>} : memref<1024xi32, #tpu.memory_space<vmem>>, vector<16xi32>,
      %add3A_909 = arith.addi %add3A_906, %get3A_908 : vector<16xi32>
      %get3A_910 = arith.constant 272 : index
      %get3A_911 = tpu.vector_load %arg7[%get3A_910] {strides = array<i32>} : memref<1024xi32, #tpu.memory_space<vmem>>, vector<16xi32>,
      %add3A_912 = arith.addi %add3A_909, %get3A_911 : vector<16xi32>
      %get3A_913 = arith.constant 336 : index
      %get3A_914 = tpu.vector_load %arg7[%get3A_913] {strides = array<i32>} : memref<1024xi32, #tpu.memory_space<vmem>>, vector<16xi32>,
      %add3A_915 = arith.addi %add3A_912, %get3A_914 : vector<16xi32>
      %get3A_916 = arith.constant 400 : index
      %get3A_917 = tpu.vector_load %arg7[%get3A_916] {strides = array<i32>} : memref<1024xi32, #tpu.memory_space<vmem>>, vector<16xi32>,
      %add3A_918 = arith.addi %add3A_915, %get3A_917 : vector<16xi32>
      %get3A_919 = arith.constant 464 : index
      %get3A_920 = tpu.vector_load %arg7[%get3A_919] {strides = array<i32>} : memref<1024xi32, #tpu.memory_space<vmem>>, vector<16xi32>,
      %add3A_921 = arith.addi %add3A_918, %get3A_920 : vector<16xi32>
      %get3A_922 = arith.constant 528 : index
      %get3A_923 = tpu.vector_load %arg7[%get3A_922] {strides = array<i32>} : memref<1024xi32, #tpu.memory_space<vmem>>, vector<16xi32>,
      %add3A_924 = arith.addi %add3A_921, %get3A_923 : vector<16xi32>
      %get3A_925 = arith.constant 592 : index
      %get3A_926 = tpu.vector_load %arg7[%get3A_925] {strides = array<i32>} : memref<1024xi32, #tpu.memory_space<vmem>>, vector<16xi32>,
      %add3A_927 = arith.addi %add3A_924, %get3A_926 : vector<16xi32>
      %get3A_928 = arith.constant 656 : index
      %get3A_929 = tpu.vector_load %arg7[%get3A_928] {strides = array<i32>} : memref<1024xi32, #tpu.memory_space<vmem>>, vector<16xi32>,
      %add3A_930 = arith.addi %add3A_927, %get3A_929 : vector<16xi32>
      %get3A_931 = arith.constant 720 : index
      %get3A_932 = tpu.vector_load %arg7[%get3A_931] {strides = array<i32>} : memref<1024xi32, #tpu.memory_space<vmem>>, vector<16xi32>,
      %add3A_933 = arith.addi %add3A_930, %get3A_932 : vector<16xi32>
      %get3A_934 = arith.constant 784 : index
      %get3A_935 = tpu.vector_load %arg7[%get3A_934] {strides = array<i32>} : memref<1024xi32, #tpu.memory_space<vmem>>, vector<16xi32>,
      %add3A_936 = arith.addi %add3A_933, %get3A_935 : vector<16xi32>
      %get3A_937 = arith.constant 848 : index
      %get3A_938 = tpu.vector_load %arg7[%get3A_937] {strides = array<i32>} : memref<1024xi32, #tpu.memory_space<vmem>>, vector<16xi32>,
      %add3A_939 = arith.addi %add3A_936, %get3A_938 : vector<16xi32>
      %get3A_940 = arith.constant 912 : index
      %get3A_941 = tpu.vector_load %arg7[%get3A_940] {strides = array<i32>} : memref<1024xi32, #tpu.memory_space<vmem>>, vector<16xi32>,
      %add3A_942 = arith.addi %add3A_939, %get3A_941 : vector<16xi32>
      %get3A_943 = arith.constant 976 : index
      %get3A_944 = tpu.vector_load %arg7[%get3A_943] {strides = array<i32>} : memref<1024xi32, #tpu.memory_space<vmem>>, vector<16xi32>,
      %add3A_945 = arith.addi %add3A_942, %get3A_944 : vector<16xi32>
      %swap3A_946 = arith.constant 16 : index
      %swap3A_947 = tpu.vector_load %arg6[%swap3A_946] {strides = array<i32>} : memref<64xi32, #tpu.memory_space<vmem>>, vector<16xi32>,
      tpu.vector_store %arg6[%swap3A_946], %add3A_945 {strides = array<i32>} : memref<64xi32, #tpu.memory_space<vmem>>, vector<16xi32>,
      %get3A_948 = arith.constant 32 : index
      %get3A_949 = tpu.vector_load %arg7[%get3A_948] {strides = array<i32>} : memref<1024xi32, #tpu.memory_space<vmem>>, vector<16xi32>,
      %add3A_950 = arith.addi %broadcast_in_dim3A_1, %get3A_949 : vector<16xi32>
      %get3A_951 = arith.constant 96 : index
      %get3A_952 = tpu.vector_load %arg7[%get3A_951] {strides = array<i32>} : memref<1024xi32, #tpu.memory_space<vmem>>, vector<16xi32>,
      %add3A_953 = arith.addi %add3A_950, %get3A_952 : vector<16xi32>
      %get3A_954 = arith.constant 160 : index
      %get3A_955 = tpu.vector_load %arg7[%get3A_954] {strides = array<i32>} : memref<1024xi32, #tpu.memory_space<vmem>>, vector<16xi32>,
      %add3A_956 = arith.addi %add3A_953, %get3A_955 : vector<16xi32>
      %get3A_957 = arith.constant 224 : index
      %get3A_958 = tpu.vector_load %arg7[%get3A_957] {strides = array<i32>} : memref<1024xi32, #tpu.memory_space<vmem>>, vector<16xi32>,
      %add3A_959 = arith.addi %add3A_956, %get3A_958 : vector<16xi32>
      %get3A_960 = arith.constant 288 : index
      %get3A_961 = tpu.vector_load %arg7[%get3A_960] {strides = array<i32>} : memref<1024xi32, #tpu.memory_space<vmem>>, vector<16xi32>,
      %add3A_962 = arith.addi %add3A_959, %get3A_961 : vector<16xi32>
      %get3A_963 = arith.constant 352 : index
      %get3A_964 = tpu.vector_load %arg7[%get3A_963] {strides = array<i32>} : memref<1024xi32, #tpu.memory_space<vmem>>, vector<16xi32>,
      %add3A_965 = arith.addi %add3A_962, %get3A_964 : vector<16xi32>
      %get3A_966 = arith.constant 416 : index
      %get3A_967 = tpu.vector_load %arg7[%get3A_966] {strides = array<i32>} : memref<1024xi32, #tpu.memory_space<vmem>>, vector<16xi32>,
      %add3A_968 = arith.addi %add3A_965, %get3A_967 : vector<16xi32>
      %get3A_969 = arith.constant 480 : index
      %get3A_970 = tpu.vector_load %arg7[%get3A_969] {strides = array<i32>} : memref<1024xi32, #tpu.memory_space<vmem>>, vector<16xi32>,
      %add3A_971 = arith.addi %add3A_968, %get3A_970 : vector<16xi32>
      %get3A_972 = arith.constant 544 : index
      %get3A_973 = tpu.vector_load %arg7[%get3A_972] {strides = array<i32>} : memref<1024xi32, #tpu.memory_space<vmem>>, vector<16xi32>,
      %add3A_974 = arith.addi %add3A_971, %get3A_973 : vector<16xi32>
      %get3A_975 = arith.constant 608 : index
      %get3A_976 = tpu.vector_load %arg7[%get3A_975] {strides = array<i32>} : memref<1024xi32, #tpu.memory_space<vmem>>, vector<16xi32>,
      %add3A_977 = arith.addi %add3A_974, %get3A_976 : vector<16xi32>
      %get3A_978 = arith.constant 672 : index
      %get3A_979 = tpu.vector_load %arg7[%get3A_978] {strides = array<i32>} : memref<1024xi32, #tpu.memory_space<vmem>>, vector<16xi32>,
      %add3A_980 = arith.addi %add3A_977, %get3A_979 : vector<16xi32>
      %get3A_981 = arith.constant 736 : index
      %get3A_982 = tpu.vector_load %arg7[%get3A_981] {strides = array<i32>} : memref<1024xi32, #tpu.memory_space<vmem>>, vector<16xi32>,
      %add3A_983 = arith.addi %add3A_980, %get3A_982 : vector<16xi32>
      %get3A_984 = arith.constant 800 : index
      %get3A_985 = tpu.vector_load %arg7[%get3A_984] {strides = array<i32>} : memref<1024xi32, #tpu.memory_space<vmem>>, vector<16xi32>,
      %add3A_986 = arith.addi %add3A_983, %get3A_985 : vector<16xi32>
      %get3A_987 = arith.constant 864 : index
      %get3A_988 = tpu.vector_load %arg7[%get3A_987] {strides = array<i32>} : memref<1024xi32, #tpu.memory_space<vmem>>, vector<16xi32>,
      %add3A_989 = arith.addi %add3A_986, %get3A_988 : vector<16xi32>
      %get3A_990 = arith.constant 928 : index
      %get3A_991 = tpu.vector_load %arg7[%get3A_990] {strides = array<i32>} : memref<1024xi32, #tpu.memory_space<vmem>>, vector<16xi32>,
      %add3A_992 = arith.addi %add3A_989, %get3A_991 : vector<16xi32>
      %get3A_993 = arith.constant 992 : index
      %get3A_994 = tpu.vector_load %arg7[%get3A_993] {strides = array<i32>} : memref<1024xi32, #tpu.memory_space<vmem>>, vector<16xi32>,
      %add3A_995 = arith.addi %add3A_992, %get3A_994 : vector<16xi32>
      %swap3A_996 = arith.constant 32 : index
      %swap3A_997 = tpu.vector_load %arg6[%swap3A_996] {strides = array<i32>} : memref<64xi32, #tpu.memory_space<vmem>>, vector<16xi32>,
      tpu.vector_store %arg6[%swap3A_996], %add3A_995 {strides = array<i32>} : memref<64xi32, #tpu.memory_space<vmem>>, vector<16xi32>,
      %get3A_998 = arith.constant 48 : index
      %get3A_999 = tpu.vector_load %arg7[%get3A_998] {strides = array<i32>} : memref<1024xi32, #tpu.memory_space<vmem>>, vector<16xi32>,
      %add3A_1000 = arith.addi %broadcast_in_dim3A_1, %get3A_999 : vector<16xi32>
      %get3A_1001 = arith.constant 112 : index
      %get3A_1002 = tpu.vector_load %arg7[%get3A_1001] {strides = array<i32>} : memref<1024xi32, #tpu.memory_space<vmem>>, vector<16xi32>,
      %add3A_1003 = arith.addi %add3A_1000, %get3A_1002 : vector<16xi32>
      %get3A_1004 = arith.constant 176 : index
      %get3A_1005 = tpu.vector_load %arg7[%get3A_1004] {strides = array<i32>} : memref<1024xi32, #tpu.memory_space<vmem>>, vector<16xi32>,
      %add3A_1006 = arith.addi %add3A_1003, %get3A_1005 : vector<16xi32>
      %get3A_1007 = arith.constant 240 : index
      %get3A_1008 = tpu.vector_load %arg7[%get3A_1007] {strides = array<i32>} : memref<1024xi32, #tpu.memory_space<vmem>>, vector<16xi32>,
      %add3A_1009 = arith.addi %add3A_1006, %get3A_1008 : vector<16xi32>
      %get3A_1010 = arith.constant 304 : index
      %get3A_1011 = tpu.vector_load %arg7[%get3A_1010] {strides = array<i32>} : memref<1024xi32, #tpu.memory_space<vmem>>, vector<16xi32>,
      %add3A_1012 = arith.addi %add3A_1009, %get3A_1011 : vector<16xi32>
      %get3A_1013 = arith.constant 368 : index
      %get3A_1014 = tpu.vector_load %arg7[%get3A_1013] {strides = array<i32>} : memref<1024xi32, #tpu.memory_space<vmem>>, vector<16xi32>,
      %add3A_1015 = arith.addi %add3A_1012, %get3A_1014 : vector<16xi32>
      %get3A_1016 = arith.constant 432 : index
      %get3A_1017 = tpu.vector_load %arg7[%get3A_1016] {strides = array<i32>} : memref<1024xi32, #tpu.memory_space<vmem>>, vector<16xi32>,
      %add3A_1018 = arith.addi %add3A_1015, %get3A_1017 : vector<16xi32>
      %get3A_1019 = arith.constant 496 : index
      %get3A_1020 = tpu.vector_load %arg7[%get3A_1019] {strides = array<i32>} : memref<1024xi32, #tpu.memory_space<vmem>>, vector<16xi32>,
      %add3A_1021 = arith.addi %add3A_1018, %get3A_1020 : vector<16xi32>
      %get3A_1022 = arith.constant 560 : index
      %get3A_1023 = tpu.vector_load %arg7[%get3A_1022] {strides = array<i32>} : memref<1024xi32, #tpu.memory_space<vmem>>, vector<16xi32>,
      %add3A_1024 = arith.addi %add3A_1021, %get3A_1023 : vector<16xi32>
      %get3A_1025 = arith.constant 624 : index
      %get3A_1026 = tpu.vector_load %arg7[%get3A_1025] {strides = array<i32>} : memref<1024xi32, #tpu.memory_space<vmem>>, vector<16xi32>,
      %add3A_1027 = arith.addi %add3A_1024, %get3A_1026 : vector<16xi32>
      %get3A_1028 = arith.constant 688 : index
      %get3A_1029 = tpu.vector_load %arg7[%get3A_1028] {strides = array<i32>} : memref<1024xi32, #tpu.memory_space<vmem>>, vector<16xi32>,
      %add3A_1030 = arith.addi %add3A_1027, %get3A_1029 : vector<16xi32>
      %get3A_1031 = arith.constant 752 : index
      %get3A_1032 = tpu.vector_load %arg7[%get3A_1031] {strides = array<i32>} : memref<1024xi32, #tpu.memory_space<vmem>>, vector<16xi32>,
      %add3A_1033 = arith.addi %add3A_1030, %get3A_1032 : vector<16xi32>
      %get3A_1034 = arith.constant 816 : index
      %get3A_1035 = tpu.vector_load %arg7[%get3A_1034] {strides = array<i32>} : memref<1024xi32, #tpu.memory_space<vmem>>, vector<16xi32>,
      %add3A_1036 = arith.addi %add3A_1033, %get3A_1035 : vector<16xi32>
      %get3A_1037 = arith.constant 880 : index
      %get3A_1038 = tpu.vector_load %arg7[%get3A_1037] {strides = array<i32>} : memref<1024xi32, #tpu.memory_space<vmem>>, vector<16xi32>,
      %add3A_1039 = arith.addi %add3A_1036, %get3A_1038 : vector<16xi32>
      %get3A_1040 = arith.constant 944 : index
      %get3A_1041 = tpu.vector_load %arg7[%get3A_1040] {strides = array<i32>} : memref<1024xi32, #tpu.memory_space<vmem>>, vector<16xi32>,
      %add3A_1042 = arith.addi %add3A_1039, %get3A_1041 : vector<16xi32>
      %get3A_1043 = arith.constant 1008 : index
      %get3A_1044 = tpu.vector_load %arg7[%get3A_1043] {strides = array<i32>} : memref<1024xi32, #tpu.memory_space<vmem>>, vector<16xi32>,
      %add3A_1045 = arith.addi %add3A_1042, %get3A_1044 : vector<16xi32>
      %swap3A_1046 = arith.constant 48 : index
      %swap3A_1047 = tpu.vector_load %arg6[%swap3A_1046] {strides = array<i32>} : memref<64xi32, #tpu.memory_space<vmem>>, vector<16xi32>,
      tpu.vector_store %arg6[%swap3A_1046], %add3A_1045 {strides = array<i32>} : memref<64xi32, #tpu.memory_space<vmem>>, vector<16xi32>,
      "tpu.region"() ({
        %run_scoped3A = tpu.sem_alloc : memref<!tpu.dma_semaphore, #tpu.memory_space<semaphore_mem>>
        tpu.enqueue_dma source(%arg6 : memref<64xi32, #tpu.memory_space<vmem>>) target(%arg3 : memref<64xi32, #tpu.memory_space<hbm>>) target_semaphore(%run_scoped3A : memref<!tpu.dma_semaphore, #tpu.memory_space<semaphore_mem>>)
        tpu.wait_dma2 semaphore(%run_scoped3A : memref<!tpu.dma_semaphore, #tpu.memory_space<semaphore_mem>>) src(%arg6 : memref<64xi32, #tpu.memory_space<vmem>>) dst(%arg3 : memref<64xi32, #tpu.memory_space<hbm>>)
        tpu.yield
      }) : () -> ()
    } else {
    }
    return
  }
}

</mosaic_0001>

<sc_bundles>
// kernel: kernel.3.cloned.1.call-start
scs
__scs_entry_jumppad:
0x0: {  	(pc) =	sbr.rel $0x88, $3  }
0x1: {  	(tag) =	ssettag $0x0;
	lr =	simm.s32 $0x1  }
0x2: {  	[smem:$0x3FA0] =	sst lr;
	_ =	strace $0xD0000000  }
0x3: {  	_ = 	snop  }
0x4: {  	_ = 	snop  }
0x5: {  	_ = 	snop  }
0x6: {  	_ = 	snop  }
0x7: {  	_ = 	snop  }
__scs_overlays_trampoline_lowered:
0x8: {  	[smem:$0x3FAF] =	sst s0  }
0x9: {  	[smem:$0x3FB0] =	sst s1  }
0xa: {  	[smem:$0x3FB1] =	sst s2  }
0xb: {  	[smem:$0x3FB2] =	sst s3  }
0xc: {  	[smem:$0x3FB3] =	sst s4  }
0xd: {  	[smem:$0x3FB4] =	sst s5  }
0xe: {  	[smem:$0x3FB5] =	sst s6  }
0xf: {  	[smem:$0x3FB6] =	sst s7  }
0x10: {  	[smem:$0x3FB7] =	sst s8  }
0x11: {  	[smem:$0x3FB8] =	sst s9;
	s0 =	simm.s32 @!p0 $0x0  }
0x12: {  	s1 =	sld [smem:$0x3F9E];
	s0 =	simm.s32 @p0 $0x1  }
0x13: {  	[smem:$0x3FB9] =	sst s0;
	s0 =	simm.s32 @!p1 $0x0  }
0x14: {  	s2 =	sld [smem:$0x3F9D];
	s0 =	simm.s32 @p1 $0x1  }
0x15: {  	[smem:$0x3FBA] =	sst s0;
	s0 =	simm.s32 @!p2 $0x0  }
0x16: {  	s3 =	sld [smem:$0x3FDB];
	s0 =	simm.s32 @p2 $0x1  }
0x17: {  	s4 =	simm.s32 $0x1BF5;
	[smem:$0x3FBC] =	sst s0  }
0x18: {  	s0 =	sld [smem:$0x3F9F];
	_ =	swait.ge [sflag:s4], $0x0  }
0x19: {  	s7 =	sld [smem:$0x3FA0]  }
0x1a: {  	s8 =	sadd.s32 $0xFFFFE003, lr  }
0x1b: {  	s9 =	sadd.s32 $0xFFFFFEF7, lr;
	s5 =	simm.s32 $0xFFFFFFFF;
	p2 =	slt.u32 s8, $0xFFFFF086  }
0x1c: {  	p1 =	slt.u32 s9, $0xF7A;
	s5 =	simm.s32 @!p2 $0x0  }
0x1d: {  	s5 =	simm.s32 @p1 $0x1;
	p0 =	seq.s32 s7, s2  }
0x1e: {  	s7 =	smul.u32 @!p0 $0xF7A, s2;
	p2 =	seq.s32 @!p0 s5, $0x0  }
0x1f: {  	s9 =	smul.u32 $0xF7A, s1;
	s8 =	simm.s32 @!p0 $0x1BF5;
	p2 =	por !p2, p0  }
0x20: {  	[sflag:s8] =	ssyncset.s32 @!p0 $0xFFFFF086;
	s6 =	sadd.s32 @!p0 s3, s7;
	s7 =	simm.s32 @!p0 $0x108  }
0x21: {  	s3 =	sadd.s32 s3, s9;
	s6 =	sadd.s32 @!p0 $0x88, s6;
	s7 =	simm.s32 @p2 $0x1082  }
0x22: {  	[simem:s7], [sflag:s8] =	dma.local @!p0 [hbm:s6], $0xF7A  }
0x23: {  	s9 =	sor.u32 $0xD0000000, s2;
	s6 =	simm.s32 $0x108;
	_ =	swait.ge @!p0 [sflag:s8], $0x0  }
0x24: {  	s3 =	sadd.s32 $0x88, s3;
	s6 =	simm.s32 @!p1 $0x1082;
	[sflag:s4] =	ssyncset.s32 $0xFFFFF086  }
0x25: {  	[simem:s6], [sflag:s4] =	dma.local [hbm:s3], $0xF7A  }
0x26: {  	[smem:$0x3FA0] =	sst s1;
	(tag) =	ssettag s2;
	_ =	strace s9  }
0x27: {  	s1 =	sld [smem:$0x3FB0]  }
0x28: {  	s2 =	sld [smem:$0x3FB1]  }
0x29: {  	s4 =	sld [smem:$0x3FB3]  }
0x2a: {  	p0 =	seq.s32 s5, $0x0;
	s5 =	sld [smem:$0x3FB4]  }
0x2b: {  	s6 =	sld [smem:$0x3FB5]  }
0x2c: {  	s7 =	sld [smem:$0x3FB6]  }
0x2d: {  	s3 =	simm.s32 $0x108;
	s8 =	sld [smem:$0x3FB7]  }
0x2e: {  	s3 =	simm.s32 @!p0 $0x1082;
	s9 =	sld [smem:$0x3FB8]  }
0x2f: {  	lr =	sadd.s32 s0, s3;
	s0 =	sld [smem:$0x3FAF]  }
0x30: {  	s3 =	sld [smem:$0x3FB2]  }
0x31: {  	[smem:$0x3FBB] =	sst s10  }
0x32: {  	s10 =	sld [smem:$0x3FB9];
	_ =	sdelay $0x3  }
0x33: {  	p0 =	seq.s32 s10, $0x1;
	s10 =	sld [smem:$0x3FBB];
	_ =	sdelay $0x3  }
0x34: {  	[smem:$0x3FBB] =	sst s10  }
0x35: {  	s10 =	sld [smem:$0x3FBA];
	_ =	sdelay $0x3  }
0x36: {  	p1 =	seq.s32 s10, $0x1;
	s10 =	sld [smem:$0x3FBB];
	_ =	sdelay $0x3  }
0x37: {  	[smem:$0x3FBB] =	sst s10  }
0x38: {  	s10 =	sld [smem:$0x3FBC]  }
0x39: {  	_ = 	snop;
	(pc) =	sbr.ind lr, $3  }
0x3a: {  	_ = 	snop  }
0x3b: {  	_ = 	snop  }
0x3c: {  	p2 =	seq.s32 s10, $0x1;
	s10 =	sld [smem:$0x3FBB]  }
0x3d: {  	_ =	shalt  }
0x3e: {  	_ =	shalt  }
0x3f: {  	_ =	shalt  }
0x40: {  	_ =	shalt  }
0x41: {  	_ =	shalt  }
0x42: {  	_ =	shalt  }
0x43: {  	_ =	shalt  }
0x44: {  	_ =	shalt  }
0x45: {  	_ =	shalt  }
0x46: {  	_ =	shalt  }
0x47: {  	_ =	shalt  }
0x48: {  	_ =	shalt  }
0x49: {  	_ =	shalt  }
0x4a: {  	_ =	shalt  }
0x4b: {  	_ =	shalt  }
0x4c: {  	_ =	shalt  }
0x4d: {  	_ =	shalt  }
0x4e: {  	_ =	shalt  }
0x4f: {  	_ =	shalt  }
0x50: {  	_ =	shalt  }
0x51: {  	_ =	shalt  }
0x52: {  	_ =	shalt  }
0x53: {  	_ =	shalt  }
0x54: {  	_ =	shalt  }
0x55: {  	_ =	shalt  }
0x56: {  	_ =	shalt  }
0x57: {  	_ =	shalt  }
0x58: {  	_ =	shalt  }
0x59: {  	_ =	shalt  }
0x5a: {  	_ =	shalt  }
0x5b: {  	_ =	shalt  }
0x5c: {  	_ =	shalt  }
0x5d: {  	_ =	shalt  }
0x5e: {  	_ =	shalt  }
0x5f: {  	_ =	shalt  }
0x60: {  	_ =	shalt  }
0x61: {  	_ =	shalt  }
0x62: {  	_ =	shalt  }
0x63: {  	_ =	shalt  }
0x64: {  	_ =	shalt  }
0x65: {  	_ =	shalt  }
0x66: {  	_ =	shalt  }
0x67: {  	_ =	shalt  }
0x68: {  	_ =	shalt  }
0x69: {  	_ =	shalt  }
0x6a: {  	_ =	shalt  }
0x6b: {  	_ =	shalt  }
0x6c: {  	_ =	shalt  }
0x6d: {  	_ =	shalt  }
0x6e: {  	_ =	shalt  }
0x6f: {  	_ =	shalt  }
0x70: {  	_ =	shalt  }
0x71: {  	_ =	shalt  }
0x72: {  	_ =	shalt  }
0x73: {  	_ =	shalt  }
0x74: {  	_ =	shalt  }
0x75: {  	_ =	shalt  }
0x76: {  	_ =	shalt  }
0x77: {  	_ =	shalt  }
0x78: {  	_ =	shalt  }
0x79: {  	_ =	shalt  }
0x7a: {  	_ =	shalt  }
0x7b: {  	_ =	shalt  }
0x7c: {  	_ =	shalt  }
0x7d: {  	_ =	shalt  }
0x7e: {  	_ =	shalt  }
0x7f: {  	_ =	shalt  }
0x80: {  	_ =	shalt  }
0x81: {  	_ =	shalt  }
0x82: {  	_ =	shalt  }
0x83: {  	_ =	shalt  }
0x84: {  	_ =	shalt  }
0x85: {  	_ =	shalt  }
0x86: {  	_ =	shalt  }
0x87: {  	_ =	shalt  }
.Lfunc_end0:
.L_simem_size_0:
called_computation_lowered:
.L_overlay_start_0:
0x88: {  	s0 =	sld [smem:$0x3FD9]  }
0x89: {  	s1 =	sld [smem:$0x3FFE];
	_ =	sdelay $0x3  }
0x8a: {  	s0 =	sadd.s32 s1, s0  }
0x8b: {  	[smem:$0x3FC7] =	sst s0  }
0x8c: {  	_ = 	snop  }
0x8d: {  	s0 =	sld [smem:$0x3FC9]  }
0x8e: {  	s17 =	sld [smem:$0x3FD0];
	(tm) =	ssettm $0x1  }
0x8f: {  	s2 =	sld [smem:$0x3FFB];
	_ =	sdelay $0x3  }
0x90: {  	_ =	strace s2  }
0x91: {  	s2 =	sld [smem:$0x3FFC];
	_ =	sdelay $0x3  }
0x92: {  	_ =	strace s2  }
0x93: {  	s2 =	sld [smem:$0x3FFD];
	_ =	sdelay $0x3  }
0x94: {  	_ =	strace s2  }
0x95: {  	_ =	strace $0x8FFFFFFF  }
0x96: {  	s18 =	sld [smem:$0x3FDB];
	_ =	sdelay $0x1  }
0x97: {  	s3 =	simm.s32 $_scs_section_size  }
0x98: {  	s4 =	simm.s32 $_size__tile_overlayer_lowered;
	s5 =	simm.s32 $_tile_overlayer_lowered  }
0x99: {  	s21 =	simm.s32 $0x1BFF;
	s20 =	sshll.u32 s5, $0x1;
	s2 =	sadd.s32 s3, s18  }
0x9a: {  	s6 =	simm.s32 $0x0;
	s19 =	sshll.u32 s4, $0x1;
	s4 =	sadd.s32 s20, s2  }
0x9b: {  	[timem:s6], [sflag:s21] =	dma.local [hbm:s4], s19  }
0x9c: {  	_ =	swait.ge [sflag:s21], s19  }
0x9d: {  	s3 =	ssub.s32 $0x0, s19;
	[sflag:s21] =	ssyncset.done $0x0  }
0x9e: {  	[sflag:s21] =	ssyncadd.s32 s3;
	_ =	sdelay $0x1  }
0x9f: {  	s22 =	simm.s32 $0x1B8B  }
0xa0: {  	_ =	swait.ge [sflag:s22], $0x1  }
0xa1: {  	[sflag:s22] =	ssyncset.done $0x0  }
0xa2: {  	s23 =	simm.s32 $0x1B8E;
	[sflag:s22] =	ssyncadd.s32 $0xFFFFFFFF  }
0xa3: {  	s24 =	simm.s32 $execute0_lowered;
	[smem:$0x3FD2] =	sst s23  }
0xa4: {  	s3 =	sshll.u32 s24, $0x1;
	_ =	strace $0x80000046;
	[dreg:$0x1] =	wrdreg $0xFFFFFFFF  }
0xa5: {  	s25 =	simm.s32 $_size_execute0_lowered;
	s2 =	sadd.s32 s2, s3;
	[dreg:$0x0] =	wrdreg $0x0  }
0xa6: {  	s3 =	sshll.u32 s25, $0x1;
	[dreg:$0x2] =	wrdreg s2  }
0xa7: {  	[dreg:$0x3] =	wrdreg s3  }
0xa8: {  	[dreg:$0x4] =	wrdreg $0xC0  }
0xa9: {  	_ =	task [dreg:s6], $0x5FFFF  }
0xaa: {  	[dreg:$0x1] =	wrdreg $0xFFFFFFFF  }
0xab: {  	[dreg:$0x0] =	wrdreg $0x60  }
0xac: {  	[dreg:$0x2] =	wrdreg s0  }
0xad: {  	[dreg:$0x3] =	wrdreg s17  }
0xae: {  	[dreg:$0x4] =	wrdreg $0x48400  }
0xaf: {  	[dreg:$0x5] =	wrdreg $0x9  }
0xb0: {  	_ =	task.clear_ibuf [dreg:s6], $0x6FFFF;
	_ =	strace $0x90000046  }
0xb1: {  	s26 =	simm.s32 $0x9;
	_ =	strace $0x80000048  }
0xb2: {  	_ =	swait.ge [sflag:s26], $0x1  }
0xb3: {  	[sflag:s26] =	ssyncadd.s32 $0xFFFFFFFF  }
0xb4: {  	_ =	strace $0x90000048  }
0xb5: {  	_ =	sfence  }
0xb6: {  	s28 =	sld [smem:$0x0];
	_ =	sdelay $0x1  }
0xb7: {  	s29 =	srdreg.scid  }
0xb8: {  	s30 =	sshll.u32 s29, $0xD;
	s31 =	sshrl.u32 s29, $0x2  }
0xb9: {  	s1 =	sand.u32 $0x1, s29;
	s2 =	sand.u32 $0x4000, s30;
	s0 =	sadd.s32 s31, s28  }
0xba: {  	s1 =	sor.u32 s2, s1;
	s0 =	sshll.u32 s0, $0x11  }
0xbb: {  	s0 =	sor.u32 s0, s1  }
0xbc: {  	s0 =	sadd.s32 $0x8F2B, s0  }
0xbd: {  	[sflag:s0] =	ssyncadd.remote.s32 $0x1  }
0xbe: {  	_ =	sfence.sel $0xFFFF  }
0xbf: {  	[dreg:$0x0] =	wrdreg $0xFFFFFFFF;
	(pc) =	sbr.abs _section_cstart, $3  }
0xc0: {  	[dreg:$0x1] =	wrdreg $0xFFFFFFFF  }
0xc1: {  	_ =	task.clear_ibuf [dreg:s6], $0x2FFFF;
	_ =	strace $0x9FFFFFFF  }
0xc2: {  	(tm) =	ssettm $0x7FFFFFFF  }
0xc3: {  	_ =	shalt  }
tec
execute0_lowered:
.L_overlay_start_1:
0x0: {  	(tag) =	ssettag $0x1  }
0x1: {  	s5 =	rddreg [dreg:$0x0]  }
0x2: {  	s1 =	rddreg [dreg:$0x1]  }
0x3: {  	s2 =	rddreg [dreg:$0x2]  }
0x4: {  	s0 =	rddreg [dreg:$0x3];
	s4 =	simm.s32 $0x0;
	s3 =	stileid.u32  }
0x5: {  	[smem:$0x7FF] =	sst s4;
	s6 =	sshll.u32 s3, $0xB  }
0x6: {  	s31 =	simm.s32 $0x1;
	_ =	strace $0x80000047;
	s5 =	sadd.s32 s5, s6  }
0x7: {  	[tilespmem:s4], [sflag:$0x1] =	stream.linear.gather [hbm4b:s5+s4], $0x4000, $0x38;
	[tilespmem:$0x4880] =	vst v63  }
0x8: {  	_ =	swait.ge [sflag:s31], $0x4000  }
0x9: {  	[sflag:s31] =	ssyncset.done $0x0  }
0xa: {  	v0 =	vimm.s32 $0x0;
	[sflag:s31] =	ssyncadd.s32 $0xFFFFC000  }
0xb: {  	[tilespmem:$0x4000] =	vst v0  }
0xc: {  	[tilespmem:$0x4010] =	vst v0  }
0xd: {  	[tilespmem:$0x4020] =	vst v0  }
0xe: {  	[tilespmem:$0x4030] =	vst v0  }
0xf: {  	[tilespmem:$0x4040] =	vst v0  }
0x10: {  	[tilespmem:$0x4050] =	vst v0  }
0x11: {  	[tilespmem:$0x4060] =	vst v0  }
0x12: {  	[tilespmem:$0x4070] =	vst v0  }
0x13: {  	[tilespmem:$0x4080] =	vst v0  }
0x14: {  	[tilespmem:$0x4090] =	vst v0  }
0x15: {  	[tilespmem:$0x40A0] =	vst v0  }
0x16: {  	[tilespmem:$0x40B0] =	vst v0  }
0x17: {  	[tilespmem:$0x40C0] =	vst v0  }
0x18: {  	[tilespmem:$0x40D0] =	vst v0  }
0x19: {  	[tilespmem:$0x40E0] =	vst v0  }
0x1a: {  	[tilespmem:$0x40F0] =	vst v0  }
0x1b: {  	[tilespmem:$0x4100] =	vst v0  }
0x1c: {  	[tilespmem:$0x4110] =	vst v0  }
0x1d: {  	[tilespmem:$0x4120] =	vst v0  }
0x1e: {  	[tilespmem:$0x4130] =	vst v0  }
0x1f: {  	[tilespmem:$0x4140] =	vst v0  }
0x20: {  	[tilespmem:$0x4150] =	vst v0  }
0x21: {  	[tilespmem:$0x4160] =	vst v0  }
0x22: {  	[tilespmem:$0x4170] =	vst v0  }
0x23: {  	[tilespmem:$0x4180] =	vst v0  }
0x24: {  	[tilespmem:$0x4190] =	vst v0  }
0x25: {  	[tilespmem:$0x41A0] =	vst v0  }
0x26: {  	[tilespmem:$0x41B0] =	vst v0  }
0x27: {  	[tilespmem:$0x41C0] =	vst v0  }
0x28: {  	[tilespmem:$0x41D0] =	vst v0  }
0x29: {  	[tilespmem:$0x41E0] =	vst v0  }
0x2a: {  	[tilespmem:$0x41F0] =	vst v0  }
0x2b: {  	[tilespmem:$0x4200] =	vst v0  }
0x2c: {  	[tilespmem:$0x4210] =	vst v0  }
0x2d: {  	[tilespmem:$0x4220] =	vst v0  }
0x2e: {  	[tilespmem:$0x4230] =	vst v0  }
0x2f: {  	[tilespmem:$0x4240] =	vst v0  }
0x30: {  	[tilespmem:$0x4250] =	vst v0  }
0x31: {  	[tilespmem:$0x4260] =	vst v0  }
0x32: {  	[tilespmem:$0x4270] =	vst v0  }
0x33: {  	[tilespmem:$0x4280] =	vst v0  }
0x34: {  	[tilespmem:$0x4290] =	vst v0  }
0x35: {  	[tilespmem:$0x42A0] =	vst v0  }
0x36: {  	[tilespmem:$0x42B0] =	vst v0  }
0x37: {  	[tilespmem:$0x42C0] =	vst v0  }
0x38: {  	[tilespmem:$0x42D0] =	vst v0  }
0x39: {  	[tilespmem:$0x42E0] =	vst v0  }
0x3a: {  	[tilespmem:$0x42F0] =	vst v0  }
0x3b: {  	[tilespmem:$0x4300] =	vst v0  }
0x3c: {  	[tilespmem:$0x4310] =	vst v0  }
0x3d: {  	[tilespmem:$0x4320] =	vst v0  }
0x3e: {  	[tilespmem:$0x4330] =	vst v0  }
0x3f: {  	[tilespmem:$0x4340] =	vst v0  }
0x40: {  	[tilespmem:$0x4350] =	vst v0  }
0x41: {  	[tilespmem:$0x4360] =	vst v0  }
0x42: {  	[tilespmem:$0x4370] =	vst v0  }
0x43: {  	[tilespmem:$0x4380] =	vst v0  }
0x44: {  	[tilespmem:$0x4390] =	vst v0  }
0x45: {  	[tilespmem:$0x43A0] =	vst v0  }
0x46: {  	[tilespmem:$0x43B0] =	vst v0  }
0x47: {  	[tilespmem:$0x43C0] =	vst v0  }
0x48: {  	[tilespmem:$0x43D0] =	vst v0  }
0x49: {  	[tilespmem:$0x43E0] =	vst v0  }
0x4a: {  	v1 =	vimm.s32 $0x1;
	s5 =	simm.s32 $0x4000;
	[tilespmem:$0x43F0] =	vst v0;
	v0 =	vlaneseq.u32  }
.LBB2_1:
0x4b: {  	s6 =	sshra.s32 s4, $0x2  }
0x4c: {  	v2 =	vld [tilespmem:s6+$0x0];
	_ =	sdelay $0x4  }
0x4d: {  	v2 =	vshll.u32 v2, $0x4  }
0x4e: {  	v2 =	vor.u32 v0, v2;
	_ =	sdelay $0x4  }
0x4f: {  	[tilespmem:v2+s5+$0x0] =	vst.idx.add.s32.msk $0xffff, v1  }
0x50: {  	v2 =	vld [tilespmem:s6+$0x10];
	_ =	sdelay $0x4  }
0x51: {  	v2 =	vshll.u32 v2, $0x4  }
0x52: {  	v2 =	vor.u32 v0, v2;
	_ =	sdelay $0x4  }
0x53: {  	[tilespmem:v2+s5+$0x0] =	vst.idx.add.s32.msk $0xffff, v1  }
0x54: {  	v2 =	vld [tilespmem:s6+$0x20];
	_ =	sdelay $0x4  }
0x55: {  	v2 =	vshll.u32 v2, $0x4  }
0x56: {  	v2 =	vor.u32 v0, v2;
	_ =	sdelay $0x4  }
0x57: {  	[tilespmem:v2+s5+$0x0] =	vst.idx.add.s32.msk $0xffff, v1  }
0x58: {  	v2 =	vld [tilespmem:s6+$0x30];
	_ =	sdelay $0x4  }
0x59: {  	v2 =	vshll.u32 v2, $0x4  }
0x5a: {  	v2 =	vor.u32 v0, v2;
	_ =	sdelay $0x4  }
0x5b: {  	[tilespmem:v2+s5+$0x0] =	vst.idx.add.s32.msk $0xffff, v1  }
0x5c: {  	v2 =	vld [tilespmem:s6+$0x40];
	_ =	sdelay $0x4  }
0x5d: {  	v2 =	vshll.u32 v2, $0x4  }
0x5e: {  	v2 =	vor.u32 v0, v2;
	_ =	sdelay $0x4  }
0x5f: {  	[tilespmem:v2+s5+$0x0] =	vst.idx.add.s32.msk $0xffff, v1  }
0x60: {  	v2 =	vld [tilespmem:s6+$0x50];
	_ =	sdelay $0x4  }
0x61: {  	v2 =	vshll.u32 v2, $0x4  }
0x62: {  	v2 =	vor.u32 v0, v2;
	_ =	sdelay $0x4  }
0x63: {  	[tilespmem:v2+s5+$0x0] =	vst.idx.add.s32.msk $0xffff, v1  }
0x64: {  	v2 =	vld [tilespmem:s6+$0x60];
	_ =	sdelay $0x4  }
0x65: {  	v2 =	vshll.u32 v2, $0x4  }
0x66: {  	v2 =	vor.u32 v0, v2;
	_ =	sdelay $0x4  }
0x67: {  	[tilespmem:v2+s5+$0x0] =	vst.idx.add.s32.msk $0xffff, v1  }
0x68: {  	v2 =	vld [tilespmem:s6+$0x70];
	_ =	sdelay $0x4  }
0x69: {  	v2 =	vshll.u32 v2, $0x4  }
0x6a: {  	p0 =	sne.s32 s4, $0xFE00;
	v2 =	vor.u32 v0, v2  }
.Ltmp0:
0x6b: {  	_ = 	snop;
	(pc) =	sbr.rel @p0 .LBB2_1-.Ltmp0, $2  }
0x6c: {  	_ =	sdelay $0x2  }
0x6d: {  	s4 =	sadd.s32 $0x200, s4;
	[tilespmem:v2+s5+$0x0] =	vst.idx.add.s32.msk $0xffff, v1  }
0x6e: {  	v0 =	vld [tilespmem:$0x4000]  }
0x6f: {  	v1 =	vld [tilespmem:$0x4010]  }
0x70: {  	v2 =	vld [tilespmem:$0x4020]  }
0x71: {  	v3 =	vld [tilespmem:$0x4030]  }
0x72: {  	v4 =	vld [tilespmem:$0x4040]  }
0x73: {  	v11 =	vld [tilespmem:$0x4050];
	(xrf0) =	vadd.scan.msk.s32 $0xffff, v0  }
0x74: {  	v12 =	vld [tilespmem:$0x4060];
	(xrf0) =	vadd.scan.msk.s32 $0xffff, v1  }
0x75: {  	v13 =	vld [tilespmem:$0x4070];
	(xrf0) =	vadd.scan.msk.s32 $0xffff, v2  }
0x76: {  	v14 =	vld [tilespmem:$0x4080];
	(xrf0) =	vadd.scan.msk.s32 $0xffff, v3  }
0x77: {  	v15 =	vld [tilespmem:$0x4090];
	(xrf0) =	vadd.scan.msk.s32 $0xffff, v4  }
0x78: {  	v16 =	vld [tilespmem:$0x40A0];
	(xrf0) =	vadd.scan.msk.s32 $0xffff, v11  }
0x79: {  	v17 =	vld [tilespmem:$0x40B0];
	v5, _, _ =	vpop (xrf0);
	(xrf0) =	vadd.scan.msk.s32 $0xffff, v12  }
0x7a: {  	v18 =	vld [tilespmem:$0x40C0];
	v6, _, _ =	vpop (xrf0);
	(xrf0) =	vadd.scan.msk.s32 $0xffff, v13  }
0x7b: {  	v19 =	vld [tilespmem:$0x40D0];
	v7, _, _ =	vpop (xrf0);
	(xrf0) =	vadd.scan.msk.s32 $0xffff, v14  }
0x7c: {  	v20 =	vld [tilespmem:$0x40E0];
	v8, _, _ =	vpop (xrf0);
	(xrf0) =	vadd.scan.msk.s32 $0xffff, v15  }
0x7d: {  	v21 =	vld [tilespmem:$0x40F0];
	v9, _, _ =	vpop (xrf0);
	(xrf0) =	vadd.scan.msk.s32 $0xffff, v16  }
0x7e: {  	v22 =	vld [tilespmem:$0x4100];
	v10, _, _ =	vpop (xrf0);
	(xrf0) =	vadd.scan.msk.s32 $0xffff, v17  }
0x7f: {  	v23 =	vld [tilespmem:$0x4110];
	v11, _, _ =	vpop (xrf0);
	(xrf0) =	vadd.scan.msk.s32 $0xffff, v18  }
0x80: {  	v24 =	vld [tilespmem:$0x4120];
	v12, _, _ =	vpop (xrf0);
	(xrf0) =	vadd.scan.msk.s32 $0xffff, v19  }
0x81: {  	v25 =	vld [tilespmem:$0x4130];
	v13, _, _ =	vpop (xrf0);
	(xrf0) =	vadd.scan.msk.s32 $0xffff, v20  }
0x82: {  	v26 =	vld [tilespmem:$0x4140];
	v14, _, _ =	vpop (xrf0);
	(xrf0) =	vadd.scan.msk.s32 $0xffff, v21  }
0x83: {  	v16 =	vld [tilespmem:$0x4150];
	v15, _, _ =	vpop (xrf0);
	(xrf0) =	vadd.scan.msk.s32 $0xffff, v22  }
0x84: {  	v18 =	vld [tilespmem:$0x4160];
	v17, _, _ =	vpop (xrf0);
	(xrf0) =	vadd.scan.msk.s32 $0xffff, v23  }
0x85: {  	v27 =	vld [tilespmem:$0x4170];
	v19, _, _ =	vpop (xrf0);
	(xrf0) =	vadd.scan.msk.s32 $0xffff, v24  }
0x86: {  	v28 =	vld [tilespmem:$0x4180];
	v20, _, _ =	vpop (xrf0);
	(xrf0) =	vadd.scan.msk.s32 $0xffff, v25  }
0x87: {  	v29 =	vld [tilespmem:$0x4190];
	v2, _, _ =	vpop (xrf0);
	(xrf0) =	vadd.scan.msk.s32 $0xffff, v26  }
0x88: {  	v30 =	vld [tilespmem:$0x41A0];
	v1, _, _ =	vpop (xrf0);
	(xrf0) =	vadd.scan.msk.s32 $0xffff, v16  }
0x89: {  	v31 =	vld [tilespmem:$0x41B0];
	v21, _, _ =	vpop (xrf0);
	(xrf0) =	vadd.scan.msk.s32 $0xffff, v18  }
0x8a: {  	v32 =	vld [tilespmem:$0x41C0];
	v22, _, _ =	vpop (xrf0);
	(xrf0) =	vadd.scan.msk.s32 $0xffff, v27  }
0x8b: {  	v33 =	vld [tilespmem:$0x41D0];
	v23, _, _ =	vpop (xrf0);
	(xrf0) =	vadd.scan.msk.s32 $0xffff, v28  }
0x8c: {  	v34 =	vld [tilespmem:$0x41E0];
	v24, _, _ =	vpop (xrf0);
	(xrf0) =	vadd.scan.msk.s32 $0xffff, v29  }
0x8d: {  	v35 =	vld [tilespmem:$0x41F0];
	v25, _, _ =	vpop (xrf0);
	(xrf0) =	vadd.scan.msk.s32 $0xffff, v30  }
0x8e: {  	v36 =	vld [tilespmem:$0x4200];
	v26, _, _ =	vpop (xrf0);
	(xrf0) =	vadd.scan.msk.s32 $0xffff, v31  }
0x8f: {  	v37 =	vld [tilespmem:$0x4210];
	v27, _, _ =	vpop (xrf0);
	(xrf0) =	vadd.scan.msk.s32 $0xffff, v32  }
0x90: {  	v38 =	vld [tilespmem:$0x4220];
	v28, _, _ =	vpop (xrf0);
	(xrf0) =	vadd.scan.msk.s32 $0xffff, v33  }
0x91: {  	v39 =	vld [tilespmem:$0x4230];
	vm11 =	vmmov $0x1;
	v5 =	vbroadcast v5, $0xF;
	v6 =	vbroadcast v6, $0xF;
	v29, _, _ =	vpop (xrf0);
	(xrf0) =	vadd.scan.msk.s32 $0xffff, v34  }
0x92: {  	v40 =	vld [tilespmem:$0x4240];
	vm4 =	vmmov $0x3;
	vm8 =	vmmov $0x7;
	v7 =	vbroadcast v7, $0xF;
	v30, _, _ =	vpop (xrf0);
	(xrf0) =	vadd.scan.msk.s32 $0xffff, v35  }
0x93: {  	v42 =	vld [tilespmem:$0x4250];
	vm5 =	vmmov $0xf;
	v5 =	vsel vm11, v5, v6;
	v41 =	vbroadcast v8, $0xF;
	v8, _, _ =	vpop (xrf0);
	(xrf0) =	vadd.scan.msk.s32 $0xffff, v36  }
0x94: {  	v44 =	vld [tilespmem:$0x4260];
	vm0 =	vmmov $0x1f;
	v5 =	vsel vm4, v5, v7;
	v43 =	vbroadcast v9, $0xF;
	v9, _, _ =	vpop (xrf0);
	(xrf0) =	vadd.scan.msk.s32 $0xffff, v37  }
0x95: {  	v46 =	vld [tilespmem:$0x4270];
	vm1 =	vmmov $0x3f;
	v5 =	vsel vm8, v5, v41;
	v45 =	vbroadcast v10, $0xF;
	v10, _, _ =	vpop (xrf0);
	(xrf0) =	vadd.scan.msk.s32 $0xffff, v38  }
0x96: {  	vm2 =	vmmov $0x7f;
	v5 =	vsel vm5, v5, v43;
	v47 =	vbroadcast v11, $0xF;
	v31 =	vld [tilespmem:$0x4280];
	v11, _, _ =	vpop (xrf0);
	(xrf0) =	vadd.scan.msk.s32 $0xffff, v39  }
0x97: {  	v50 =	vld [tilespmem:$0x4290];
	vm3 =	vmmov $0xff;
	vm6 =	vmmov $0x1ff;
	v48 =	vsel vm0, v5, v45;
	v6, _, _ =	vpop (xrf0);
	(xrf0) =	vadd.scan.msk.s32 $0xffff, v40  }
0x98: {  	v51 =	vld [tilespmem:$0x42A0];
	vm7 =	vmmov $0x3ff;
	vm9 =	vmmov $0x7ff;
	v7 =	vsel vm1, v48, v47;
	v0, _, _ =	vpop (xrf0);
	(xrf0) =	vadd.scan.msk.s32 $0xffff, v42  }
0x99: {  	v53 =	vld [tilespmem:$0x42B0];
	vm10 =	vmmov $0xfff;
	v49 =	vbroadcast v12, $0xF;
	v52 =	vbroadcast v14, $0xF;
	v14, _, _ =	vpop (xrf0);
	(xrf0) =	vadd.scan.msk.s32 $0xffff, v44  }
0x9a: {  	v55 =	vld [tilespmem:$0x42C0];
	vm12 =	vmmov $0x1fff;
	vm13 =	vmmov $0x3fff;
	v54 =	vbroadcast v15, $0xF;
	v15, _, _ =	vpop (xrf0);
	(xrf0) =	vadd.scan.msk.s32 $0xffff, v46  }
0x9b: {  	v56 =	vld [tilespmem:$0x42D0];
	v13 =	vbroadcast v13, $0xF;
	v5 =	vsel vm2, v7, v49;
	v22 =	vbroadcast v22, $0xF;
	v7, _, _ =	vpop (xrf0);
	(xrf0) =	vadd.scan.msk.s32 $0xffff, v31  }
0x9c: {  	v59 =	vld [tilespmem:$0x42E0];
	vm14 =	vmmov $0x7fff;
	v58 =	vbroadcast v19, $0xF;
	v21 =	vbroadcast v21, $0xF;
	v19, _, _ =	vpop (xrf0);
	(xrf0) =	vadd.scan.msk.s32 $0xffff, v50  }
0x9d: {  	v60 =	vld [tilespmem:$0x42F0];
	v5 =	vsel vm3, v5, v13;
	v61 =	vbroadcast v23, $0xF;
	v24 =	vbroadcast v24, $0xF;
	v31, _, _ =	vpop (xrf0);
	(xrf0) =	vadd.scan.msk.s32 $0xffff, v51  }
0x9e: {  	v62 =	vld [tilespmem:$0x4300];
	v5 =	vsel vm6, v5, v52;
	v57 =	vbroadcast v17, $0xF;
	v63 =	vsel vm11, v21, v22;
	v23, _, _ =	vpop (xrf0);
	(xrf0) =	vadd.scan.msk.s32 $0xffff, v53  }
0x9f: {  	v5 =	vsel vm7, v5, v54;
	v13 =	vsel vm4, v63, v61;
	v32 =	vld [tilespmem:$0x4310];
	v34 =	vbroadcast v25, $0xF;
	v22, _, _ =	vpop (xrf0);
	(xrf0) =	vadd.scan.msk.s32 $0xffff, v55  }
0xa0: {  	v5 =	vsel vm9, v5, v57;
	v13 =	vsel vm8, v13, v24;
	v35 =	vbroadcast v26, $0xF;
	v17, _, _ =	vpop (xrf0);
	(xrf0) =	vadd.scan.msk.s32 $0xffff, v56  }
0xa1: {  	v5 =	vsel vm10, v5, v58;
	v36 =	vld [tilespmem:$0x4320];
	v13 =	vsel vm5, v13, v34;
	v37 =	vbroadcast v27, $0xF;
	v24, _, _ =	vpop (xrf0);
	(xrf0) =	vadd.scan.msk.s32 $0xffff, v59  }
0xa2: {  	v33 =	vbroadcast v20, $0xF;
	v13 =	vsel vm0, v13, v35;
	v38 =	vld [tilespmem:$0x4330];
	v39 =	vbroadcast v28, $0xF;
	v20, _, _ =	vpop (xrf0);
	(xrf0) =	vadd.scan.msk.s32 $0xffff, v60  }
0xa3: {  	v2 =	vbroadcast v2, $0xF;
	v41 =	vbroadcast v29, $0xF;
	v13 =	vsel vm1, v13, v37;
	v40 =	vld [tilespmem:$0x4340];
	v25, _, _ =	vpop (xrf0);
	(xrf0) =	vadd.scan.msk.s32 $0xffff, v62  }
0xa4: {  	v5 =	vsel vm12, v5, v33;
	v43 =	vbroadcast v30, $0xF;
	v42 =	vsel vm2, v13, v39;
	v18, _, _ =	vpop (xrf0);
	(xrf0) =	vadd.scan.msk.s32 $0xffff, v32  }
0xa5: {  	v45 =	vld [tilespmem:$0x4350];
	v2 =	vsel vm13, v5, v2;
	v4 =	vsel vm3, v42, v41;
	v44 =	vbroadcast v8, $0xF;
	v21, _, _ =	vpop (xrf0)  }
0xa6: {  	v48 =	vld [tilespmem:$0x4360];
	v1 =	vsel vm14, v2, v1;
	v47 =	vbroadcast v9, $0xF;
	v46 =	vsel vm6, v4, v43;
	(xrf0) =	vadd.scan.msk.s32 $0xffff, v36;
	v8, _, _ =	vpop (xrf0)  }
0xa7: {  	v49 =	vbroadcast v10, $0xF;
	v52 =	vbroadcast v6, $0xF;
	v2 =	vsel vm7, v46, v44;
	v51 =	vld [tilespmem:$0x4370];
	(xrf0) =	vadd.scan.msk.s32 $0xffff, v38;
	v9, _, _ =	vpop (xrf0)  }
0xa8: {  	v50 =	vbroadcast v11, $0xF;
	v2 =	vsel vm9, v2, v47;
	v7 =	vbroadcast v7, $0xF;
	v55 =	vld [tilespmem:$0x4380];
	(xrf0) =	vadd.scan.msk.s32 $0xffff, v40;
	v11, _, _ =	vpop (xrf0)  }
0xa9: {  	v58 =	vld [tilespmem:$0x4390];
	v2 =	vsel vm10, v2, v49;
	v63 =	vbroadcast v19, $0xF;
	v53 =	vbroadcast v14, $0xF;
	v54, _, _ =	vpop (xrf0)  }
0xaa: {  	v2 =	vsel vm12, v2, v50;
	v28 =	vbroadcast v31, $0xF;
	v56 =	vbroadcast v15, $0xF;
	v57, _, _ =	vpop (xrf0);
	(xrf0) =	vadd.scan.msk.s32 $0xffff, v45  }
0xab: {  	v61 =	vld [tilespmem:$0x43A0];
	v2 =	vsel vm13, v2, v52;
	v31 =	vbroadcast v23, $0xF;
	v33 =	vbroadcast v22, $0xF;
	(xrf0) =	vadd.scan.msk.s32 $0xffff, v48  }
0xac: {  	v27 =	vld [tilespmem:$0x43B0];
	v62 =	vsel vm11, v53, v56;
	v39 =	vbroadcast v20, $0xF;
	v46 =	vbroadcast v25, $0xF;
	v15, _, _ =	vpop (xrf0);
	(xrf0) =	vadd.scan.msk.s32 $0xffff, v51  }
0xad: {  	v30 =	vld [tilespmem:$0x43C0];
	v4 =	vsel vm4, v62, v7;
	v36 =	vbroadcast v17, $0xF;
	v47 =	vbroadcast v18, $0xF;
	v19, _, _ =	vpop (xrf0);
	(xrf0) =	vadd.scan.msk.s32 $0xffff, v55  }
0xae: {  	v32 =	vld [tilespmem:$0x43D0];
	v4 =	vsel vm8, v4, v63;
	v59 =	vbroadcast v54, $0xF;
	v60 =	vbroadcast v57, $0xF;
	v29, _, _ =	vpop (xrf0);
	(xrf0) =	vadd.scan.msk.s32 $0xffff, v58  }
0xaf: {  	v34 =	vld [tilespmem:$0x43E0];
	v4 =	vsel vm5, v4, v28;
	v38 =	vbroadcast v24, $0xF;
	v6 =	vbroadcast v15, $0xF  }
0xb0: {  	v4 =	vsel vm0, v4, v31;
	v10 =	vsel vm11, v59, v60;
	v7 =	vbroadcast v19, $0xF;
	(xrf0) =	vadd.scan.msk.s32 $0xffff, v61;
	v35, _, _ =	vpop (xrf0)  }
0xb1: {  	v53 =	vbroadcast v8, $0xF;
	v6 =	vsel vm4, v10, v6;
	v13 =	vbroadcast v29, $0xF;
	(xrf0) =	vadd.scan.msk.s32 $0xffff, v27;
	v37, _, _ =	vpop (xrf0)  }
0xb2: {  	v41 =	vld [tilespmem:$0x43F0];
	v4 =	vsel vm1, v4, v33;
	v6 =	vsel vm8, v6, v7;
	v12 =	vbroadcast v35, $0xF;
	v40, _, _ =	vpop (xrf0);
	(xrf0) =	vadd.scan.msk.s32 $0xffff, v30  }
0xb3: {  	v56 =	vbroadcast v9, $0xF;
	v6 =	vsel vm5, v6, v13;
	v5 =	vbroadcast v37, $0xF;
	v42, _, _ =	vpop (xrf0);
	(xrf0) =	vadd.scan.msk.s32 $0xffff, v32  }
0xb4: {  	v4 =	vsel vm2, v4, v36;
	v6 =	vsel vm0, v6, v12;
	v43 =	vbroadcast v40, $0xF;
	v44, _, _ =	vpop (xrf0);
	(xrf0) =	vadd.scan.msk.s32 $0xffff, v34  }
0xb5: {  	v3 =	vsel vm3, v4, v38;
	v5 =	vsel vm1, v6, v5;
	v4 =	vbroadcast v42, $0xF  }
0xb6: {  	v3 =	vsel vm6, v3, v39;
	v45, _, _ =	vpop (xrf0);
	v5 =	vsel vm2, v5, v43;
	v6 =	vbroadcast v44, $0xF  }
0xb7: {  	v48 =	vbroadcast v21, $0xF;
	v4 =	vsel vm3, v5, v4;
	v7 =	vbroadcast v45, $0xF;
	v49, _, _ =	vpop (xrf0);
	(xrf0) =	vadd.scan.msk.s32 $0xffff, v41  }
0xb8: {  	v3 =	vsel vm7, v3, v46;
	v4 =	vsel vm6, v4, v6;
	v51 =	vbroadcast v49, $0xF;
	v50, _, _ =	vpop (xrf0)  }
0xb9: {  	v3 =	vsel vm9, v3, v47;
	v4 =	vsel vm7, v4, v7;
	v52, _, _ =	vpop (xrf0);
	v54 =	vbroadcast v50, $0xF  }
0xba: {  	v3 =	vsel vm10, v3, v48;
	v4 =	vsel vm9, v4, v51;
	v55, _, _ =	vpop (xrf0);
	v7 =	vbroadcast v52, $0xF  }
0xbb: {  	v3 =	vsel vm12, v3, v53;
	v4 =	vsel vm10, v4, v54;
	v57 =	vbroadcast v55, $0xF  }
0xbc: {  	[tilespmem:$0x4400] =	vst v1;
	v0 =	vsel vm14, v2, v0;
	v58 =	vsel vm13, v3, v56;
	v59 =	vsel vm12, v4, v7  }
0xbd: {  	[tilespmem:$0x4410] =	vst v0;
	v60 =	vsel vm14, v58, v11;
	v62, _, _ =	vpop (xrf0);
	v61 =	vsel vm13, v59, v57  }
0xbe: {  	s4 =	sshll.u32 s3, $0x6;
	[tilespmem:$0x4420] =	vst v60;
	v63 =	vsel vm14, v61, v62  }
0xbf: {  	s5 =	simm.s32 $0x4400;
	s4 =	sadd.s32 s4, s2;
	[tilespmem:$0x4430] =	vst v63  }
0xc0: {  	[spmem:s4] =	stream.linear.scatter [tilespmem:s5], [sflag:$0x1], $0x40, $0x38;
	[tilespmem:$0x4880] =	vst v63  }
0xc1: {  	s4 =	simm.s32 $0x1  }
0xc2: {  	_ =	swait.ge [sflag:s4], $0x40  }
0xc3: {  	[sflag:s4] =	ssyncset.done $0x0  }
0xc4: {  	[sflag:s4] =	ssyncadd.s32 $0xFFFFFFC0  }
0xc5: {  	p0 =	sne.s32 s3, $0x0;
	[bflag:$0x0] =	sbarrier.arrive $0xFFFF  }
0xc6: {  	_ =	sfence.sel @p0 $0x180000  }
0xc7: {  	[bflag:$0x0] =	sbarrier.arrive @p0 $0xFFFF  }
0xc8: {  	_ =	strace @p0 $0x90000047  }
0xc9: {  	[bflag:$0x2] =	sbarrier.arrive @p0 $0xFFFF  }
0xca: {  	_ =	shalt @p0  }
.LBB2_3:
0xcb: {  	s3 =	simm.s32 $0x4440  }
0xcc: {  	[tilespmem:s3], [sflag:$0x1] =	stream.linear.gather [spmem:s2], $0x400, $0x38;
	[tilespmem:$0x4880] =	vst v63  }
0xcd: {  	_ =	swait.ge [sflag:s4], $0x400  }
0xce: {  	[sflag:s4] =	ssyncset.done $0x0  }
0xcf: {  	[sflag:s4] =	ssyncadd.s32 $0xFFFFFC00  }
0xd0: {  	v0 =	vld [tilespmem:$0x4440]  }
0xd1: {  	v1 =	vld [tilespmem:$0x4480]  }
0xd2: {  	v2 =	vld [tilespmem:$0x44C0]  }
0xd3: {  	v3 =	vld [tilespmem:$0x4500]  }
0xd4: {  	v4 =	vld [tilespmem:$0x4540]  }
0xd5: {  	v5 =	vld [tilespmem:$0x4580]  }
0xd6: {  	v6 =	vld [tilespmem:$0x45C0]  }
0xd7: {  	v7 =	vld [tilespmem:$0x4600]  }
0xd8: {  	v8 =	vld [tilespmem:$0x4640]  }
0xd9: {  	v9 =	vld [tilespmem:$0x4680]  }
0xda: {  	v10 =	vld [tilespmem:$0x46C0]  }
0xdb: {  	v11 =	vld [tilespmem:$0x4700]  }
0xdc: {  	v12 =	vld [tilespmem:$0x4740]  }
0xdd: {  	v13 =	vld [tilespmem:$0x4780]  }
0xde: {  	v14 =	vld [tilespmem:$0x47C0]  }
0xdf: {  	v15 =	vld [tilespmem:$0x4800]  }
0xe0: {  	v16 =	vld [tilespmem:$0x4450]  }
0xe1: {  	v17 =	vld [tilespmem:$0x4490]  }
0xe2: {  	v18 =	vld [tilespmem:$0x44D0]  }
0xe3: {  	v19 =	vld [tilespmem:$0x4510]  }
0xe4: {  	v20 =	vld [tilespmem:$0x4550]  }
0xe5: {  	v21 =	vld [tilespmem:$0x4590]  }
0xe6: {  	v22 =	vld [tilespmem:$0x45D0]  }
0xe7: {  	v23 =	vld [tilespmem:$0x4610]  }
0xe8: {  	v24 =	vld [tilespmem:$0x4650]  }
0xe9: {  	v25 =	vld [tilespmem:$0x4690]  }
0xea: {  	v26 =	vld [tilespmem:$0x46D0]  }
0xeb: {  	v27 =	vld [tilespmem:$0x4710]  }
0xec: {  	v28 =	vld [tilespmem:$0x4750]  }
0xed: {  	v29 =	vld [tilespmem:$0x4790]  }
0xee: {  	v30 =	vld [tilespmem:$0x47D0]  }
0xef: {  	v31 =	vld [tilespmem:$0x4810]  }
0xf0: {  	v32 =	vld [tilespmem:$0x4460]  }
0xf1: {  	v33 =	vld [tilespmem:$0x44A0]  }
0xf2: {  	v34 =	vld [tilespmem:$0x44E0]  }
0xf3: {  	v35 =	vld [tilespmem:$0x4520]  }
0xf4: {  	v36 =	vld [tilespmem:$0x4560]  }
0xf5: {  	v37 =	vld [tilespmem:$0x45A0]  }
0xf6: {  	v38 =	vld [tilespmem:$0x45E0]  }
0xf7: {  	v55 =	vld [tilespmem:$0x4620]  }
0xf8: {  	v56 =	vld [tilespmem:$0x4660];
	v0 =	vadd.s32 v0, v1  }
0xf9: {  	v57 =	vld [tilespmem:$0x46A0];
	v0 =	vadd.s32 v2, v0  }
0xfa: {  	v58 =	vld [tilespmem:$0x46E0];
	v0 =	vadd.s32 v3, v0  }
0xfb: {  	v59 =	vld [tilespmem:$0x4720];
	v0 =	vadd.s32 v4, v0  }
0xfc: {  	v60 =	vld [tilespmem:$0x4760];
	v0 =	vadd.s32 v5, v0  }
0xfd: {  	v61 =	vld [tilespmem:$0x47A0];
	v0 =	vadd.s32 v6, v0  }
0xfe: {  	v62 =	vld [tilespmem:$0x47E0];
	v0 =	vadd.s32 v7, v0  }
0xff: {  	v39 =	vld [tilespmem:$0x4470];
	v0 =	vadd.s32 v8, v0  }
0x100: {  	v40 =	vld [tilespmem:$0x44B0];
	v0 =	vadd.s32 v9, v0  }
0x101: {  	v63 =	vld [tilespmem:$0x4820];
	v0 =	vadd.s32 v10, v0  }
0x102: {  	v41 =	vld [tilespmem:$0x44F0];
	v0 =	vadd.s32 v11, v0  }
0x103: {  	v42 =	vld [tilespmem:$0x4530];
	v0 =	vadd.s32 v12, v0  }
0x104: {  	v44 =	vld [tilespmem:$0x4570];
	v43 =	vadd.s32 v16, v17;
	v45 =	vadd.s32 v32, v33;
	v0 =	vadd.s32 v13, v0  }
0x105: {  	v46 =	vld [tilespmem:$0x45B0];
	v10 =	vadd.s32 v39, v40;
	v0 =	vadd.s32 v14, v0;
	v14 =	vadd.s32 v18, v43  }
0x106: {  	v47 =	vld [tilespmem:$0x45F0];
	v0 =	vadd.s32 v15, v0;
	v14 =	vadd.s32 v19, v14;
	v15 =	vadd.s32 v34, v45  }
0x107: {  	v48 =	vld [tilespmem:$0x4630];
	v10 =	vadd.s32 v41, v10;
	v14 =	vadd.s32 v20, v14;
	v15 =	vadd.s32 v35, v15  }
0x108: {  	v49 =	vld [tilespmem:$0x4670];
	v10 =	vadd.s32 v42, v10;
	v14 =	vadd.s32 v21, v14;
	v15 =	vadd.s32 v36, v15  }
0x109: {  	v50 =	vld [tilespmem:$0x46B0];
	v10 =	vadd.s32 v44, v10;
	v14 =	vadd.s32 v22, v14;
	v15 =	vadd.s32 v37, v15  }
0x10a: {  	v51 =	vld [tilespmem:$0x46F0];
	v10 =	vadd.s32 v46, v10;
	v14 =	vadd.s32 v23, v14;
	v15 =	vadd.s32 v38, v15  }
0x10b: {  	v52 =	vld [tilespmem:$0x4730];
	v10 =	vadd.s32 v47, v10;
	v14 =	vadd.s32 v24, v14;
	v1 =	vadd.s32 v55, v15  }
0x10c: {  	v54 =	vld [tilespmem:$0x4770];
	v53 =	vadd.s32 v48, v10;
	v14 =	vadd.s32 v25, v14;
	v1 =	vadd.s32 v56, v1  }
0x10d: {  	v2 =	vadd.s32 v49, v53;
	v56 =	vld [tilespmem:$0x47B0];
	v55 =	vadd.s32 v26, v14;
	v1 =	vadd.s32 v57, v1  }
0x10e: {  	v2 =	vadd.s32 v50, v2;
	v57 =	vld [tilespmem:$0x47F0];
	v12 =	vadd.s32 v27, v55;
	v1 =	vadd.s32 v58, v1  }
0x10f: {  	v2 =	vadd.s32 v51, v2;
	v58 =	vld [tilespmem:$0x4830];
	v12 =	vadd.s32 v28, v12;
	v1 =	vadd.s32 v59, v1  }
0x110: {  	v2 =	vadd.s32 v52, v2;
	v12 =	vadd.s32 v29, v12;
	v1 =	vadd.s32 v60, v1  }
0x111: {  	v2 =	vadd.s32 v54, v2;
	v59 =	vadd.s32 v30, v12;
	v1 =	vadd.s32 v61, v1  }
0x112: {  	[tilespmem:$0x4400] =	vst v0;
	v2 =	vadd.s32 v56, v2;
	v60 =	vadd.s32 v31, v59;
	v1 =	vadd.s32 v62, v1  }
0x113: {  	v62 =	vadd.s32 v57, v2;
	[tilespmem:$0x4410] =	vst v60;
	v61 =	vadd.s32 v63, v1  }
0x114: {  	v63 =	vadd.s32 v58, v62;
	[tilespmem:$0x4420] =	vst v61  }
0x115: {  	s31 =	simm.s32 $0x0;
	[tilespmem:$0x4430] =	vst v63  }
0x116: {  	[hbm4b:s1+s31] =	stream.linear.scatter [tilespmem:s5], [sflag:$0x1], $0x40, $0x38;
	[tilespmem:$0x4880] =	vst v63  }
0x117: {  	_ =	swait.ge [sflag:s4], $0x40  }
0x118: {  	[sflag:s4] =	ssyncset.done $0x0  }
0x119: {  	[sflag:s4] =	ssyncadd.s32 $0xFFFFFFC0  }
0x11a: {  	_ =	sfence.sel $0x180000  }
0x11b: {  	[bflag:$0x0] =	sbarrier.arrive $0xFFFF  }
0x11c: {  	_ =	strace $0x90000047  }
0x11d: {  	s0 =	sadd.s32 $0x100000, s0;
	[bflag:$0x2] =	sbarrier.arrive $0xFFFF  }
0x11e: {  	[sflag:s0] =	ssyncadd.tile.s32 $0x1;
	_ =	shalt  }
.Lfunc_end2:
_tile_overlayer_lowered:
.L_overlay_start_2:
0x11f: {  	(tag) =	ssettag $0x2  }
0x120: {  	s0 =	rddreg [dreg:$0x0];
	s2 =	stileid.u32  }
0x121: {  	s1 =	rddreg [dreg:$0x1];
	p0 =	sne.s32 s2, $0x0  }
0x122: {  	s3 =	rddreg [dreg:$0x2];
	[bflag:$0x3] =	sbarrier.arrive $0xFFFF;
	s2 =	simm.s32 @!p0 $0x1C01  }
0x123: {  	[timem:s3], [sflag:s2] =	dma.local @!p0 [hbm:s0], s1  }
0x124: {  	s0 =	simm.s32 @!p0 $0x1  }
0x125: {  	_ =	swait.ge @!p0 [sflag:s0], s1  }
0x126: {  	s1 =	ssub.s32 @!p0 $0x0, s1;
	[sflag:s0] =	ssyncset.done @!p0 $0x0  }
0x127: {  	[sflag:s0] =	ssyncadd.s32 @!p0 s1  }
0x128: {  	[bflag:$0x3] =	sbarrier.arrive $0xFFFF  }
0x129: {  	_ =	shalt  }

</sc_bundles>
